<compile_context>
chip_gen: v7x
topology: tpu7x:2x2x1
jax: 0.10.2.dev20260603
libtpu: 0.0.44.dev20260713+nightly
codegen_flags: <defaults>
</compile_context>

<pallas_src>
import jax
import jax.numpy as jnp
from jax import lax
from jax.experimental import pallas as pl
from jax.experimental.pallas import tpu as pltpu
from jax.experimental.pallas import tpu_sc as plsc

N_NODE = 10000
D = 128
E_EDGE = 320000
E_LBL = 100000

NC, NS = 2, 16
NW = NC * NS

CHUNK = 128
NCHUNK_TOT = E_EDGE // CHUNK
KMAX = (NCHUNK_TOT + NW - 1) // NW
ZROWS = 80
NZ = N_NODE // ZROWS

DCHUNK = 800
NDCHUNK = E_LBL // DCHUNK


def _sc_mesh():
    return plsc.VectorSubcoreMesh(
        core_axis_name="c", subcore_axis_name="s", num_cores=NC, num_subcores=NS
    )


def _edge_pass_body(aug_hbm, asrc_hbm, adst_hbm, es_hbm, ed_hbm,
                    acc_hbm, den0_hbm, den1_hbm,
                    acc_sh, den_sh, asrc_t, adst_t, idx_s, idx_d, rows,
                    ebuf, gsem):
    cid = lax.axis_index("c")
    sid = lax.axis_index("s")
    wid = sid * NC + cid

    zf16 = jnp.zeros((16,), jnp.float32)

    def zero_row(r, _):
        for j in range(D // 16):
            rows[r, pl.ds(j * 16, 16)] = zf16
        return _
    lax.fori_loop(0, CHUNK, zero_row, None)
    for g in range(CHUNK // 16):
        ebuf[pl.ds(g * 16, 16)] = zf16

    def zero_chunk(k, _):
        zc = sid + NS * k

        @pl.when(zc < NZ)
        def _():
            pltpu.sync_copy(rows.at[pl.ds(0, ZROWS)],
                            acc_sh.at[pl.ds(zc * ZROWS, ZROWS)])
            pltpu.sync_copy(ebuf.at[pl.ds(0, ZROWS)],
                            den_sh.at[pl.ds(zc * ZROWS, ZROWS)])
        return _
    lax.fori_loop(0, (NZ + NS - 1) // NS, zero_chunk, None)

    pltpu.sync_copy(asrc_hbm, asrc_t)
    pltpu.sync_copy(adst_hbm, adst_t)
    plsc.subcore_barrier()

    def chunk_body(k, _):
        ck = wid + NW * k

        @pl.when(ck < NCHUNK_TOT)
        def _():
            off = ck * CHUNK
            pltpu.sync_copy(es_hbm.at[pl.ds(off, CHUNK)], idx_s)
            pltpu.sync_copy(ed_hbm.at[pl.ds(off, CHUNK)], idx_d)
            pltpu.async_copy(aug_hbm.at[idx_s], rows, gsem).wait()

            def e_group(g, _):
                sv = idx_s[pl.ds(g * 16, 16)]
                dv = idx_d[pl.ds(g * 16, 16)]
                a_s = plsc.load_gather(asrc_t, [sv])
                a_d = plsc.load_gather(adst_t, [dv])
                al = a_s + a_d
                ebuf[pl.ds(g * 16, 16)] = jnp.exp(jnp.maximum(al, 0.2 * al))
                return _
            lax.fori_loop(0, CHUNK // 16, e_group, None)

            def scale_row(r, _):
                e_v = plsc.load_gather(ebuf, [jnp.full((16,), r, jnp.int32)])
                for j in range(D // 16):
                    sl = pl.ds(j * 16, 16)
                    rows[r, sl] = rows[r, sl] * e_v
                return _
            lax.fori_loop(0, CHUNK, scale_row, None)

            pltpu.sync_copy(rows, acc_sh.at[idx_d], add=True)
            pltpu.sync_copy(ebuf, den_sh.at[idx_d], add=True)
        return _
    lax.fori_loop(0, KMAX, chunk_body, None)

    plsc.subcore_barrier()

    def drain_chunk(k, _):
        zc = sid + NS * k

        @pl.when(zc < NZ)
        def _():
            sl = pl.ds(zc * ZROWS, ZROWS)
            pltpu.sync_copy(acc_sh.at[sl], acc_hbm.at[cid, sl])

            pltpu.sync_copy(den_sh.at[sl], ebuf.at[pl.ds(0, ZROWS)])

            @pl.when(cid == 0)
            def _():
                pltpu.sync_copy(ebuf.at[pl.ds(0, ZROWS)], den0_hbm.at[sl])

            @pl.when(cid == 1)
            def _():
                pltpu.sync_copy(ebuf.at[pl.ds(0, ZROWS)], den1_hbm.at[sl])
        return _
    lax.fori_loop(0, (NZ + NS - 1) // NS, drain_chunk, None)


@jax.jit
def _edge_pass(aug, a_src, a_dst, e_src, e_dst):
    kern = pl.kernel(
        _edge_pass_body,
        out_type=(jax.ShapeDtypeStruct((NC, N_NODE, D), jnp.float32),
                  jax.ShapeDtypeStruct((N_NODE,), jnp.float32),
                  jax.ShapeDtypeStruct((N_NODE,), jnp.float32)),
        mesh=_sc_mesh(),
        compiler_params=pltpu.CompilerParams(needs_layout_passes=False),
        scratch_types=[
            pltpu.VMEM_SHARED((N_NODE, D), jnp.float32),
            pltpu.VMEM_SHARED((N_NODE,), jnp.float32),
            pltpu.VMEM((N_NODE,), jnp.float32),
            pltpu.VMEM((N_NODE,), jnp.float32),
            pltpu.VMEM((CHUNK,), jnp.int32),
            pltpu.VMEM((CHUNK,), jnp.int32),
            pltpu.VMEM((CHUNK, D), jnp.float32),
            pltpu.VMEM((CHUNK,), jnp.float32),
            pltpu.SemaphoreType.DMA,
        ],
    )
    acc, d0, d1 = kern(aug, a_src, a_dst, e_src, e_dst)
    return acc, jnp.stack([d0, d1]).reshape(NC, N_NODE, 1)


def _decode_body(qm_hbm, qc_hbm, er_hbm, ec_hbm, out_hbm,
                 qm_t, qc_t, ridx, cidx, obuf):
    cid = lax.axis_index("c")
    sid = lax.axis_index("s")
    wid = sid * NC + cid

    pltpu.sync_copy(qm_hbm, qm_t)
    pltpu.sync_copy(qc_hbm, qc_t)

    lane = lax.iota(jnp.int32, 16)

    for k in range(4):
        ck = wid + NW * k

        @pl.when(ck < NDCHUNK)
        def _():
            base = ck * DCHUNK
            pltpu.sync_copy(er_hbm.at[pl.ds(base, DCHUNK)], ridx)
            pltpu.sync_copy(ec_hbm.at[pl.ds(base, DCHUNK)], cidx)

            def group(g, _):
                rv = 2 * ridx[pl.ds(g * 16, 16)]
                cv = 2 * cidx[pl.ds(g * 16, 16)]
                o0 = (plsc.load_gather(qm_t, [rv])
                      + plsc.load_gather(qc_t, [cv]))
                o1 = (plsc.load_gather(qm_t, [rv + 1])
                      + plsc.load_gather(qc_t, [cv + 1]))
                pos = g * 16 + lane
                plsc.store_scatter(obuf, [2 * pos], o0)
                plsc.store_scatter(obuf, [2 * pos + 1], o1)
                return _
            lax.fori_loop(0, DCHUNK // 16, group, None)

            pltpu.sync_copy(obuf, out_hbm.at[pl.ds(2 * base, 2 * DCHUNK)])


@jax.jit
def _decode(qm, qc, e_row, e_col):
    kern = pl.kernel(
        _decode_body,
        out_type=jax.ShapeDtypeStruct((2 * E_LBL,), jnp.float32),
        mesh=_sc_mesh(),
        compiler_params=pltpu.CompilerParams(needs_layout_passes=False),
        scratch_types=[
            pltpu.VMEM((2 * N_NODE,), jnp.float32),
            pltpu.VMEM((2 * N_NODE,), jnp.float32),
            pltpu.VMEM((DCHUNK,), jnp.int32),
            pltpu.VMEM((DCHUNK,), jnp.int32),
            pltpu.VMEM((2 * DCHUNK,), jnp.float32),
        ],
    )
    return kern(qm, qc, e_row, e_col)


TCB = 1000
_GRID = N_NODE // TCB


def _dotT(v, m):
    return lax.dot_general(v, m, (((1,), (1,)), ((), ())),
                           preferred_element_type=jnp.float32)


def _dotC(m, v):
    return lax.dot_general(m, v, (((1,), (1,)), ((), ())),
                           preferred_element_type=jnp.float32)


def _prep1_body(x_m, x_c, ws_mc, wd_mc, as_mc, ad_mc,
                ws_cm, wd_cm, as_cm, ad_cm,
                aug_mc, asrc_mc, adst_mc, aug_cm, asrc_cm, adst_cm):
    hs_mc = jnp.dot(x_m[...], ws_mc[...], preferred_element_type=jnp.float32)
    hs_cm = jnp.dot(x_c[...], ws_cm[...], preferred_element_type=jnp.float32)
    aug_mc[...] = hs_mc
    aug_cm[...] = hs_cm

    asrc_mc[...] = _dotC(hs_mc, as_mc[...])
    hd_mc = jnp.dot(x_c[...], wd_mc[...], preferred_element_type=jnp.float32)
    adst_mc[...] = _dotC(hd_mc, ad_mc[...])

    asrc_cm[...] = _dotC(hs_cm, as_cm[...])
    hd_cm = jnp.dot(x_m[...], wd_cm[...], preferred_element_type=jnp.float32)
    adst_cm[...] = _dotC(hd_cm, ad_cm[...])


def _combine(acc2, den2):
    num = acc2[0] + acc2[1]
    den = den2[0] + den2[1]
    safe = jnp.where(den > 0, den, 1.0)
    return jnp.where(den > 0, num / safe, 0.0)


def _mid_body(acc_c, den_c, acc_m, den_m, b1_mc, b1_cm,
              ws2_mc, as2_mc, wd2_mc, ad2_mc,
              ws2_cm, as2_cm, wd2_cm, ad2_cm,
              aug2_mc, asrc2_mc, adst2_mc, aug2_cm, asrc2_cm, adst2_cm):
    z_c = jnp.maximum(_combine(acc_c[...], den_c[...]) + b1_mc[...], 0.0)
    z_m = jnp.maximum(_combine(acc_m[...], den_m[...]) + b1_cm[...], 0.0)

    hs2_mc = jnp.dot(z_m, ws2_mc[...], preferred_element_type=jnp.float32)
    aug2_mc[...] = hs2_mc
    asrc2_mc[...] = _dotC(hs2_mc, as2_mc[...])
    hd2_mc = jnp.dot(z_c, wd2_mc[...], preferred_element_type=jnp.float32)
    adst2_mc[...] = _dotC(hd2_mc, ad2_mc[...])

    hs2_cm = jnp.dot(z_c, ws2_cm[...], preferred_element_type=jnp.float32)
    aug2_cm[...] = hs2_cm
    asrc2_cm[...] = _dotC(hs2_cm, as2_cm[...])
    hd2_cm = jnp.dot(z_m, wd2_cm[...], preferred_element_type=jnp.float32)
    adst2_cm[...] = _dotC(hd2_cm, ad2_cm[...])


def _final_body(acc_c, den_c, acc_m, den_m, b2_mc, b2_cm, w1t, w1b, w2,
                db1, db2, qm, qc):
    h_c = _combine(acc_c[...], den_c[...]) + b2_mc[...]
    h_m = _combine(acc_m[...], den_m[...]) + b2_cm[...]
    wqm = jnp.dot(w1t[...], w2[...], preferred_element_type=jnp.float32)
    wqc = jnp.dot(w1b[...], w2[...], preferred_element_type=jnp.float32)
    cvec = jnp.dot(db1[...], w2[...], preferred_element_type=jnp.float32) + db2[...]
    qm[...] = jnp.dot(h_m, wqm, preferred_element_type=jnp.float32) + cvec
    qc[...] = jnp.dot(h_c, wqc, preferred_element_type=jnp.float32)


def _row_spec():
    return pl.BlockSpec((TCB, D), lambda i: (i, 0))


def _att_spec():
    return pl.BlockSpec((TCB, 1), lambda i: (i, 0))


def _acc_spec():
    return pl.BlockSpec((2, TCB, D), lambda i: (0, i, 0))


def _den_spec():
    return pl.BlockSpec((2, TCB, 1), lambda i: (0, i, 0))


def _full(shape):
    return pl.BlockSpec(shape, lambda i: tuple(0 for _ in shape))


def _vec_spec():
    return pl.BlockSpec((1, D), lambda i: (0, 0))


def kernel(x_materials, x_concepts, edge_index_mc, edge_index_cm,
           edge_label_index, l1_mc_Ws, l1_mc_Wd, l1_mc_as, l1_mc_ad, l1_mc_b,
           l1_cm_Ws, l1_cm_Wd, l1_cm_as, l1_cm_ad, l1_cm_b,
           l2_mc_Ws, l2_mc_Wd, l2_mc_as, l2_mc_ad, l2_mc_b,
           l2_cm_Ws, l2_cm_Wd, l2_cm_as, l2_cm_ad, l2_cm_b,
           dec_W1, dec_b1, dec_W2, dec_b2):
    f32 = jnp.float32
    as1_mc = l1_mc_as.reshape(1, D)
    ad1_mc = l1_mc_ad.reshape(1, D)
    as1_cm = l1_cm_as.reshape(1, D)
    ad1_cm = l1_cm_ad.reshape(1, D)
    as2_mc = l2_mc_as.reshape(1, D)
    ad2_mc = l2_mc_ad.reshape(1, D)
    as2_cm = l2_cm_as.reshape(1, D)
    ad2_cm = l2_cm_ad.reshape(1, D)
    b1_mc = l1_mc_b.reshape(1, D)
    b1_cm = l1_cm_b.reshape(1, D)
    b2_mc = l2_mc_b.reshape(1, D)
    b2_cm = l2_cm_b.reshape(1, D)
    src_mc = edge_index_mc[0]
    dst_mc = edge_index_mc[1]
    src_cm = edge_index_cm[0]
    dst_cm = edge_index_cm[1]
    e_row = edge_label_index[0]
    e_col = edge_label_index[1]
    w1t = dec_W1[:D]
    w1b = dec_W1[D:]
    db1 = dec_b1.reshape(1, D)
    db2 = dec_b2.reshape(1, 2)

    aug_mc, asrc_mc, adst_mc, aug_cm, asrc_cm, adst_cm = pl.pallas_call(
        _prep1_body,
        grid=(_GRID,),
        in_specs=[_row_spec(), _row_spec(),
                  _full((D, D)), _full((D, D)), _vec_spec(), _vec_spec(),
                  _full((D, D)), _full((D, D)), _vec_spec(), _vec_spec()],
        out_specs=[_row_spec(), _att_spec(), _att_spec(),
                   _row_spec(), _att_spec(), _att_spec()],
        out_shape=[jax.ShapeDtypeStruct((N_NODE, D), f32),
                   jax.ShapeDtypeStruct((N_NODE, 1), f32),
                   jax.ShapeDtypeStruct((N_NODE, 1), f32),
                   jax.ShapeDtypeStruct((N_NODE, D), f32),
                   jax.ShapeDtypeStruct((N_NODE, 1), f32),
                   jax.ShapeDtypeStruct((N_NODE, 1), f32)],
    )(x_materials, x_concepts, l1_mc_Ws, l1_mc_Wd, as1_mc, ad1_mc,
      l1_cm_Ws, l1_cm_Wd, as1_cm, ad1_cm)

    acc1_c, den1_c = _edge_pass(aug_mc, asrc_mc.reshape(N_NODE),
                                adst_mc.reshape(N_NODE), src_mc, dst_mc)
    acc1_m, den1_m = _edge_pass(aug_cm, asrc_cm.reshape(N_NODE),
                                adst_cm.reshape(N_NODE), src_cm, dst_cm)


    aug2_mc, asrc2_mc, adst2_mc, aug2_cm, asrc2_cm, adst2_cm = pl.pallas_call(
        _mid_body,
        grid=(_GRID,),
        in_specs=[_acc_spec(), _den_spec(), _acc_spec(), _den_spec(),
                  _vec_spec(), _vec_spec(),
                  _full((D, D)), _vec_spec(), _full((D, D)), _vec_spec(),
                  _full((D, D)), _vec_spec(), _full((D, D)), _vec_spec()],
        out_specs=[_row_spec(), _att_spec(), _att_spec(),
                   _row_spec(), _att_spec(), _att_spec()],
        out_shape=[jax.ShapeDtypeStruct((N_NODE, D), f32),
                   jax.ShapeDtypeStruct((N_NODE, 1), f32),
                   jax.ShapeDtypeStruct((N_NODE, 1), f32),
                   jax.ShapeDtypeStruct((N_NODE, D), f32),
                   jax.ShapeDtypeStruct((N_NODE, 1), f32),
                   jax.ShapeDtypeStruct((N_NODE, 1), f32)],
    )(acc1_c, den1_c, acc1_m, den1_m, b1_mc, b1_cm,
      l2_mc_Ws, as2_mc, l2_mc_Wd, ad2_mc,
      l2_cm_Ws, as2_cm, l2_cm_Wd, ad2_cm)

    acc2_c, den2_c = _edge_pass(aug2_mc, asrc2_mc.reshape(N_NODE),
                                adst2_mc.reshape(N_NODE), src_mc, dst_mc)
    acc2_m, den2_m = _edge_pass(aug2_cm, asrc2_cm.reshape(N_NODE),
                                adst2_cm.reshape(N_NODE), src_cm, dst_cm)


    qm, qc = pl.pallas_call(
        _final_body,
        grid=(_GRID,),
        in_specs=[_acc_spec(), _den_spec(), _acc_spec(), _den_spec(),
                  _vec_spec(), _vec_spec(),
                  _full((D, D)), _full((D, D)), _full((D, 2)),
                  _vec_spec(), _full((1, 2))],
        out_specs=[pl.BlockSpec((TCB, 2), lambda i: (i, 0)),
                   pl.BlockSpec((TCB, 2), lambda i: (i, 0))],
        out_shape=[jax.ShapeDtypeStruct((N_NODE, 2), f32),
                   jax.ShapeDtypeStruct((N_NODE, 2), f32)],
    )(acc2_c, den2_c, acc2_m, den2_m, b2_mc, b2_cm, w1t, w1b, dec_W2,
      db1, db2)

    return _decode(qm.reshape(-1), qc.reshape(-1), e_row, e_col)

# --- scband reference (transcript-rebuilt; emitter-appended) ---
"""Pipeline reference for scband-model-33569464386210 (READ-ONLY COPY).

The authoritative reference and input builder live on the scoring server;
editing this copy changes nothing except your own understanding.
"""

import jax, jax.numpy as jnp
import numpy as np

N_M = 10000
N_C = 10000
D_IN = 128
H = 128
E = 320000
E_LBL = 100000

def _gat(x_src, x_dst, ei, Ws, Wd, att_s, att_d, b, n_dst):
    hs = x_src @ Ws
    hd = x_dst @ Wd
    a_src = hs @ att_s
    a_dst = hd @ att_d
    src = ei[0]
    dst = ei[1]
    alpha = jax.nn.leaky_relu(a_src[src] + a_dst[dst], negative_slope=0.2)
    mx = jax.ops.segment_max(alpha, dst, num_segments=n_dst)
    mx = jnp.where(jnp.isfinite(mx), mx, 0.0)
    e = jnp.exp(alpha - mx[dst])
    den = jax.ops.segment_sum(e, dst, num_segments=n_dst)
    coef = e / (den[dst] + 1e-16)
    out = jax.ops.segment_sum(hs[src] * coef[:, None], dst, num_segments=n_dst)
    return out + b

def _gat_params(key, d_src, d_dst, h):
    k = jax.random.split(key, 4)
    Ws = jax.random.normal(k[0], (d_src, h), dtype=jnp.float32) / np.sqrt(d_src)
    Wd = jax.random.normal(k[1], (d_dst, h), dtype=jnp.float32) / np.sqrt(d_dst)
    att_s = jax.random.normal(k[2], (h,), dtype=jnp.float32) / np.sqrt(h)
    att_d = jax.random.normal(k[3], (h,), dtype=jnp.float32) / np.sqrt(h)
    b = jnp.zeros((h,), dtype=jnp.float32)
    return Ws, Wd, att_s, att_d, b

def setup_inputs(seed: int = 0):
    key = jax.random.key(seed)
    ks = jax.random.split(key, 16)
    inp = {}
    inp["x_materials"] = jax.random.normal(ks[0], (N_M, D_IN), dtype=jnp.float32)
    inp["x_concepts"] = jax.random.normal(ks[1], (N_C, D_IN), dtype=jnp.float32)
    inp["edge_index_mc"] = jnp.stack([jax.random.randint(ks[2], (E,), 0, N_M, dtype=jnp.int32), jax.random.randint(ks[3], (E,), 0, N_C, dtype=jnp.int32)])
    inp["edge_index_cm"] = jnp.stack([jax.random.randint(ks[4], (E,), 0, N_C, dtype=jnp.int32), jax.random.randint(ks[5], (E,), 0, N_M, dtype=jnp.int32)])
    inp["edge_label_index"] = jnp.stack([jax.random.randint(ks[6], (E_LBL,), 0, N_M, dtype=jnp.int32), jax.random.randint(ks[7], (E_LBL,), 0, N_C, dtype=jnp.int32)])
    for name, dsrc, ddst, kk in [("l1_mc", D_IN, D_IN, ks[8]), ("l1_cm", D_IN, D_IN, ks[9]), ("l2_mc", H, H, ks[10]), ("l2_cm", H, H, ks[11])]:
        Ws, Wd, att_s, att_d, b = _gat_params(kk, dsrc, ddst, H)
        inp[name + "_Ws"] = Ws
        inp[name + "_Wd"] = Wd
        inp[name + "_as"] = att_s
        inp[name + "_ad"] = att_d
        inp[name + "_b"] = b
    inp["dec_W1"] = jax.random.normal(ks[12], (2 * H, H), dtype=jnp.float32) / np.sqrt(2 * H)
    inp["dec_b1"] = jnp.zeros((H,), dtype=jnp.float32)
    inp["dec_W2"] = jax.random.normal(ks[13], (H, 2), dtype=jnp.float32) / np.sqrt(H)
    inp["dec_b2"] = jnp.zeros((2,), dtype=jnp.float32)
    return inp

def reference(x_materials, x_concepts, edge_index_mc, edge_index_cm, edge_label_index, l1_mc_Ws, l1_mc_Wd, l1_mc_as, l1_mc_ad, l1_mc_b, l1_cm_Ws, l1_cm_Wd, l1_cm_as, l1_cm_ad, l1_cm_b, l2_mc_Ws, l2_mc_Wd, l2_mc_as, l2_mc_ad, l2_mc_b, l2_cm_Ws, l2_cm_Wd, l2_cm_as, l2_cm_ad, l2_cm_b, dec_W1, dec_b1, dec_W2, dec_b2):
    z_c = jax.nn.relu(_gat(x_materials, x_concepts, edge_index_mc, l1_mc_Ws, l1_mc_Wd, l1_mc_as, l1_mc_ad, l1_mc_b, N_C))
    z_m = jax.nn.relu(_gat(x_concepts, x_materials, edge_index_cm, l1_cm_Ws, l1_cm_Wd, l1_cm_as, l1_cm_ad, l1_cm_b, N_M))
    h_c = _gat(z_m, z_c, edge_index_mc, l2_mc_Ws, l2_mc_Wd, l2_mc_as, l2_mc_ad, l2_mc_b, N_C)
    h_m = _gat(z_c, z_m, edge_index_cm, l2_cm_Ws, l2_cm_Wd, l2_cm_as, l2_cm_ad, l2_cm_b, N_M)
    row = edge_label_index[0]
    col = edge_label_index[1]
    z = jnp.concatenate([h_m[row], h_c[col]], axis=-1)
    z = z @ dec_W1 + dec_b1
    z = z @ dec_W2 + dec_b2
    return z.reshape(-1)

if __name__ == "__main__":
    import jax
    _d = setup_inputs()
    print(jax.jit(kernel)(*tuple(_d.values())))

</pallas_src>

<mosaic_0001>
#map = affine_map<(d0, d1) -> (0, 0)>
#map1 = affine_map<(d0, d1) -> (0)>
#map2 = affine_map<(d0, d1) -> (0, 0, 0)>
module attributes {stable_mosaic.version = 14 : i64} {
  func.func @_edge_pass_body(%arg0: i32, %arg1: i32, %arg2: memref<10000x128xf32, #tpu.memory_space<hbm>>, %arg3: memref<10000xf32, #tpu.memory_space<hbm>>, %arg4: memref<10000xf32, #tpu.memory_space<hbm>>, %arg5: memref<320000xi32, #tpu.memory_space<hbm>>, %arg6: memref<320000xi32, #tpu.memory_space<hbm>>, %arg7: memref<2x10000x128xf32, #tpu.memory_space<hbm>>, %arg8: memref<10000xf32, #tpu.memory_space<hbm>>, %arg9: memref<10000xf32, #tpu.memory_space<hbm>>, %arg10: memref<10000x128xf32, #tpu.memory_space<vmem_shared>>, %arg11: memref<10000xf32, #tpu.memory_space<vmem_shared>>, %arg12: memref<10000xf32, #tpu.memory_space<vmem>>, %arg13: memref<10000xf32, #tpu.memory_space<vmem>>, %arg14: memref<128xi32, #tpu.memory_space<vmem>>, %arg15: memref<128xi32, #tpu.memory_space<vmem>>, %arg16: memref<128x128xf32, #tpu.memory_space<vmem>>, %arg17: memref<128xf32, #tpu.memory_space<vmem>>, %arg18: memref<!tpu.dma_semaphore, #tpu.memory_space<semaphore_mem>>) attributes {dimension_semantics = [#tpu.dimension_semantics<core_parallel>, #tpu.dimension_semantics<subcore_parallel>], iteration_bounds = array<i64: 2, 16>, scalar_prefetch = 0 : i64, scratch_operands = 9 : i64, tpu.core_type = #tpu.core_type<sc_vector_subcore>, window_params = [{transform_indices = #map}, {transform_indices = #map1}, {transform_indices = #map1}, {transform_indices = #map1}, {transform_indices = #map1}, {transform_indices = #map2}, {transform_indices = #map1}, {transform_indices = #map1}]} {
    %mul3A = arith.constant 2 : i32
    %mul3A_0 = arith.muli %arg1, %mul3A : i32
    %add3A = arith.addi %mul3A_0, %arg0 : i32
    %broadcast_in_dim3A = arith.constant 0.000000e+00 : f32
    %broadcast_in_dim3A_1 = vector.broadcast %broadcast_in_dim3A : f32 to vector<16xf32>
    %scan3A = arith.constant 0 : i32
    %scan3A_2 = arith.constant 128 : i32
    %scan3A_3 = arith.addi %scan3A, %scan3A_2 : i32
    %scan3A_4 = arith.constant 1 : i32
    scf.for %scan3A_37 = %scan3A to %scan3A_3 step %scan3A_4  : i32 {
      %swap3A_38 = arith.index_cast %scan3A_37 : i32 to index
      %swap3A_39 = arith.constant 0 : index
      %swap3A_40 = tpu.vector_load %arg16[%swap3A_38, %swap3A_39] {strides = array<i32>} : memref<128x128xf32, #tpu.memory_space<vmem>>, vector<16xf32>,
      tpu.vector_store %arg16[%swap3A_38, %swap3A_39], %broadcast_in_dim3A_1 {strides = array<i32>} : memref<128x128xf32, #tpu.memory_space<vmem>>, vector<16xf32>,
      %swap3A_41 = arith.index_cast %scan3A_37 : i32 to index
      %swap3A_42 = arith.constant 16 : index
      %swap3A_43 = tpu.vector_load %arg16[%swap3A_41, %swap3A_42] {strides = array<i32>} : memref<128x128xf32, #tpu.memory_space<vmem>>, vector<16xf32>,
      tpu.vector_store %arg16[%swap3A_41, %swap3A_42], %broadcast_in_dim3A_1 {strides = array<i32>} : memref<128x128xf32, #tpu.memory_space<vmem>>, vector<16xf32>,
      %swap3A_44 = arith.index_cast %scan3A_37 : i32 to index
      %swap3A_45 = arith.constant 32 : index
      %swap3A_46 = tpu.vector_load %arg16[%swap3A_44, %swap3A_45] {strides = array<i32>} : memref<128x128xf32, #tpu.memory_space<vmem>>, vector<16xf32>,
      tpu.vector_store %arg16[%swap3A_44, %swap3A_45], %broadcast_in_dim3A_1 {strides = array<i32>} : memref<128x128xf32, #tpu.memory_space<vmem>>, vector<16xf32>,
      %swap3A_47 = arith.index_cast %scan3A_37 : i32 to index
      %swap3A_48 = arith.constant 48 : index
      %swap3A_49 = tpu.vector_load %arg16[%swap3A_47, %swap3A_48] {strides = array<i32>} : memref<128x128xf32, #tpu.memory_space<vmem>>, vector<16xf32>,
      tpu.vector_store %arg16[%swap3A_47, %swap3A_48], %broadcast_in_dim3A_1 {strides = array<i32>} : memref<128x128xf32, #tpu.memory_space<vmem>>, vector<16xf32>,
      %swap3A_50 = arith.index_cast %scan3A_37 : i32 to index
      %swap3A_51 = arith.constant 64 : index
      %swap3A_52 = tpu.vector_load %arg16[%swap3A_50, %swap3A_51] {strides = array<i32>} : memref<128x128xf32, #tpu.memory_space<vmem>>, vector<16xf32>,
      tpu.vector_store %arg16[%swap3A_50, %swap3A_51], %broadcast_in_dim3A_1 {strides = array<i32>} : memref<128x128xf32, #tpu.memory_space<vmem>>, vector<16xf32>,
      %swap3A_53 = arith.index_cast %scan3A_37 : i32 to index
      %swap3A_54 = arith.constant 80 : index
      %swap3A_55 = tpu.vector_load %arg16[%swap3A_53, %swap3A_54] {strides = array<i32>} : memref<128x128xf32, #tpu.memory_space<vmem>>, vector<16xf32>,
      tpu.vector_store %arg16[%swap3A_53, %swap3A_54], %broadcast_in_dim3A_1 {strides = array<i32>} : memref<128x128xf32, #tpu.memory_space<vmem>>, vector<16xf32>,
      %swap3A_56 = arith.index_cast %scan3A_37 : i32 to index
      %swap3A_57 = arith.constant 96 : index
      %swap3A_58 = tpu.vector_load %arg16[%swap3A_56, %swap3A_57] {strides = array<i32>} : memref<128x128xf32, #tpu.memory_space<vmem>>, vector<16xf32>,
      tpu.vector_store %arg16[%swap3A_56, %swap3A_57], %broadcast_in_dim3A_1 {strides = array<i32>} : memref<128x128xf32, #tpu.memory_space<vmem>>, vector<16xf32>,
      %swap3A_59 = arith.index_cast %scan3A_37 : i32 to index
      %swap3A_60 = arith.constant 112 : index
      %swap3A_61 = tpu.vector_load %arg16[%swap3A_59, %swap3A_60] {strides = array<i32>} : memref<128x128xf32, #tpu.memory_space<vmem>>, vector<16xf32>,
      tpu.vector_store %arg16[%swap3A_59, %swap3A_60], %broadcast_in_dim3A_1 {strides = array<i32>} : memref<128x128xf32, #tpu.memory_space<vmem>>, vector<16xf32>,
    }
    %scan3A_5 = arith.constant 128 : i32
    %swap3A = arith.constant 0 : index
    %swap3A_6 = tpu.vector_load %arg17[%swap3A] {strides = array<i32>} : memref<128xf32, #tpu.memory_space<vmem>>, vector<16xf32>,
    tpu.vector_store %arg17[%swap3A], %broadcast_in_dim3A_1 {strides = array<i32>} : memref<128xf32, #tpu.memory_space<vmem>>, vector<16xf32>,
    %swap3A_7 = arith.constant 16 : index
    %swap3A_8 = tpu.vector_load %arg17[%swap3A_7] {strides = array<i32>} : memref<128xf32, #tpu.memory_space<vmem>>, vector<16xf32>,
    tpu.vector_store %arg17[%swap3A_7], %broadcast_in_dim3A_1 {strides = array<i32>} : memref<128xf32, #tpu.memory_space<vmem>>, vector<16xf32>,
    %swap3A_9 = arith.constant 32 : index
    %swap3A_10 = tpu.vector_load %arg17[%swap3A_9] {strides = array<i32>} : memref<128xf32, #tpu.memory_space<vmem>>, vector<16xf32>,
    tpu.vector_store %arg17[%swap3A_9], %broadcast_in_dim3A_1 {strides = array<i32>} : memref<128xf32, #tpu.memory_space<vmem>>, vector<16xf32>,
    %swap3A_11 = arith.constant 48 : index
    %swap3A_12 = tpu.vector_load %arg17[%swap3A_11] {strides = array<i32>} : memref<128xf32, #tpu.memory_space<vmem>>, vector<16xf32>,
    tpu.vector_store %arg17[%swap3A_11], %broadcast_in_dim3A_1 {strides = array<i32>} : memref<128xf32, #tpu.memory_space<vmem>>, vector<16xf32>,
    %swap3A_13 = arith.constant 64 : index
    %swap3A_14 = tpu.vector_load %arg17[%swap3A_13] {strides = array<i32>} : memref<128xf32, #tpu.memory_space<vmem>>, vector<16xf32>,
    tpu.vector_store %arg17[%swap3A_13], %broadcast_in_dim3A_1 {strides = array<i32>} : memref<128xf32, #tpu.memory_space<vmem>>, vector<16xf32>,
    %swap3A_15 = arith.constant 80 : index
    %swap3A_16 = tpu.vector_load %arg17[%swap3A_15] {strides = array<i32>} : memref<128xf32, #tpu.memory_space<vmem>>, vector<16xf32>,
    tpu.vector_store %arg17[%swap3A_15], %broadcast_in_dim3A_1 {strides = array<i32>} : memref<128xf32, #tpu.memory_space<vmem>>, vector<16xf32>,
    %swap3A_17 = arith.constant 96 : index
    %swap3A_18 = tpu.vector_load %arg17[%swap3A_17] {strides = array<i32>} : memref<128xf32, #tpu.memory_space<vmem>>, vector<16xf32>,
    tpu.vector_store %arg17[%swap3A_17], %broadcast_in_dim3A_1 {strides = array<i32>} : memref<128xf32, #tpu.memory_space<vmem>>, vector<16xf32>,
    %swap3A_19 = arith.constant 112 : index
    %swap3A_20 = tpu.vector_load %arg17[%swap3A_19] {strides = array<i32>} : memref<128xf32, #tpu.memory_space<vmem>>, vector<16xf32>,
    tpu.vector_store %arg17[%swap3A_19], %broadcast_in_dim3A_1 {strides = array<i32>} : memref<128xf32, #tpu.memory_space<vmem>>, vector<16xf32>,
    %scan3A_21 = arith.constant 0 : i32
    %scan3A_22 = arith.constant 8 : i32
    %scan3A_23 = arith.addi %scan3A_21, %scan3A_22 : i32
    %scan3A_24 = arith.constant 1 : i32
    scf.for %scan3A_37 = %scan3A_21 to %scan3A_23 step %scan3A_24  : i32 {
      %mul3A_38 = arith.constant 16 : i32
      %mul3A_39 = arith.muli %mul3A_38, %scan3A_37 : i32
      %add3A_40 = arith.addi %arg1, %mul3A_39 : i32
      %lt3A = arith.constant 125 : i32
      %lt3A_41 = arith.cmpi slt, %add3A_40, %lt3A : i32
      %convert_element_type3A = arith.extui %lt3A_41 : i1 to i32
      %cond3A = arith.constant 0 : i32
      %cond3A_42 = arith.cmpi ne, %convert_element_type3A, %cond3A : i32
      scf.if %cond3A_42 {
        %mul3A_43 = arith.constant 80 : i32
        %mul3A_44 = arith.muli %add3A_40, %mul3A_43 : i32
        "tpu.region"() ({
          %run_scoped3A = tpu.sem_alloc : memref<!tpu.dma_semaphore, #tpu.memory_space<semaphore_mem>>
          %dma_start3A = arith.constant 0 : i32
          %dma_start3A_47 = arith.constant 0 : i32
          %dma_start3A_48 = tpu.memref_slice %arg16[%dma_start3A, %dma_start3A_47] : memref<128x128xf32, #tpu.memory_space<vmem>> -> memref<80x128xf32, #tpu.memory_space<vmem>>
          %dma_start3A_49 = arith.constant 0 : i32
          %dma_start3A_50 = tpu.memref_slice %arg10[%mul3A_44, %dma_start3A_49] : memref<10000x128xf32, #tpu.memory_space<vmem_shared>> -> memref<80x128xf32, #tpu.memory_space<vmem_shared>>
          %dma_start3A_51 = arith.constant 0 : i32
          %dma_start3A_52 = tpu.memref_slice %arg10[%mul3A_44, %dma_start3A_51] : memref<10000x128xf32, #tpu.memory_space<vmem_shared>> -> memref<80x128xf32, #tpu.memory_space<vmem_shared>>
          %dma_start3A_53 = arith.constant 0 : i32
          %dma_start3A_54 = arith.constant 0 : i32
          %dma_start3A_55 = tpu.memref_slice %arg16[%dma_start3A_53, %dma_start3A_54] : memref<128x128xf32, #tpu.memory_space<vmem>> -> memref<80x128xf32, #tpu.memory_space<vmem>>
          tpu.enqueue_dma source(%dma_start3A_55 : memref<80x128xf32, #tpu.memory_space<vmem>>) target(%dma_start3A_52 : memref<80x128xf32, #tpu.memory_space<vmem_shared>>) target_semaphore(%run_scoped3A : memref<!tpu.dma_semaphore, #tpu.memory_space<semaphore_mem>>)
          %dma_wait3A = arith.constant 0 : i32
          %dma_wait3A_56 = arith.constant 0 : i32
          %dma_wait3A_57 = tpu.memref_slice %arg16[%dma_wait3A, %dma_wait3A_56] : memref<128x128xf32, #tpu.memory_space<vmem>> -> memref<80x128xf32, #tpu.memory_space<vmem>>
          %dma_wait3A_58 = arith.constant 0 : i32
          %dma_wait3A_59 = tpu.memref_slice %arg10[%mul3A_44, %dma_wait3A_58] : memref<10000x128xf32, #tpu.memory_space<vmem_shared>> -> memref<80x128xf32, #tpu.memory_space<vmem_shared>>
          %dma_wait3A_60 = arith.constant 0 : i32
          %dma_wait3A_61 = tpu.memref_slice %arg10[%mul3A_44, %dma_wait3A_60] : memref<10000x128xf32, #tpu.memory_space<vmem_shared>> -> memref<80x128xf32, #tpu.memory_space<vmem_shared>>
          %dma_wait3A_62 = arith.constant 0 : i32
          %dma_wait3A_63 = arith.constant 0 : i32
          %dma_wait3A_64 = tpu.memref_slice %arg16[%dma_wait3A_62, %dma_wait3A_63] : memref<128x128xf32, #tpu.memory_space<vmem>> -> memref<80x128xf32, #tpu.memory_space<vmem>>
          tpu.wait_dma2 semaphore(%run_scoped3A : memref<!tpu.dma_semaphore, #tpu.memory_space<semaphore_mem>>) src(%dma_wait3A_64 : memref<80x128xf32, #tpu.memory_space<vmem>>) dst(%dma_wait3A_61 : memref<80x128xf32, #tpu.memory_space<vmem_shared>>)
          tpu.yield
        }) : () -> ()
        %mul3A_45 = arith.constant 80 : i32
        %mul3A_46 = arith.muli %add3A_40, %mul3A_45 : i32
        "tpu.region"() ({
          %run_scoped3A = tpu.sem_alloc : memref<!tpu.dma_semaphore, #tpu.memory_space<semaphore_mem>>
          %dma_start3A = arith.constant 0 : i32
          %dma_start3A_47 = tpu.memref_slice %arg17[%dma_start3A] : memref<128xf32, #tpu.memory_space<vmem>> -> memref<80xf32, #tpu.memory_space<vmem>>
          %dma_start3A_48 = tpu.memref_slice %arg11[%mul3A_46] : memref<10000xf32, #tpu.memory_space<vmem_shared>> -> memref<80xf32, #tpu.memory_space<vmem_shared>>
          %dma_start3A_49 = tpu.memref_slice %arg11[%mul3A_46] : memref<10000xf32, #tpu.memory_space<vmem_shared>> -> memref<80xf32, #tpu.memory_space<vmem_shared>>
          %dma_start3A_50 = arith.constant 0 : i32
          %dma_start3A_51 = tpu.memref_slice %arg17[%dma_start3A_50] : memref<128xf32, #tpu.memory_space<vmem>> -> memref<80xf32, #tpu.memory_space<vmem>>
          tpu.enqueue_dma source(%dma_start3A_51 : memref<80xf32, #tpu.memory_space<vmem>>) target(%dma_start3A_49 : memref<80xf32, #tpu.memory_space<vmem_shared>>) target_semaphore(%run_scoped3A : memref<!tpu.dma_semaphore, #tpu.memory_space<semaphore_mem>>)
          %dma_wait3A = arith.constant 0 : i32
          %dma_wait3A_52 = tpu.memref_slice %arg17[%dma_wait3A] : memref<128xf32, #tpu.memory_space<vmem>> -> memref<80xf32, #tpu.memory_space<vmem>>
          %dma_wait3A_53 = tpu.memref_slice %arg11[%mul3A_46] : memref<10000xf32, #tpu.memory_space<vmem_shared>> -> memref<80xf32, #tpu.memory_space<vmem_shared>>
          %dma_wait3A_54 = tpu.memref_slice %arg11[%mul3A_46] : memref<10000xf32, #tpu.memory_space<vmem_shared>> -> memref<80xf32, #tpu.memory_space<vmem_shared>>
          %dma_wait3A_55 = arith.constant 0 : i32
          %dma_wait3A_56 = tpu.memref_slice %arg17[%dma_wait3A_55] : memref<128xf32, #tpu.memory_space<vmem>> -> memref<80xf32, #tpu.memory_space<vmem>>
          tpu.wait_dma2 semaphore(%run_scoped3A : memref<!tpu.dma_semaphore, #tpu.memory_space<semaphore_mem>>) src(%dma_wait3A_56 : memref<80xf32, #tpu.memory_space<vmem>>) dst(%dma_wait3A_54 : memref<80xf32, #tpu.memory_space<vmem_shared>>)
          tpu.yield
        }) : () -> ()
      } else {
      }
    }
    %scan3A_25 = arith.constant 8 : i32
    "tpu.region"() ({
      %run_scoped3A = tpu.sem_alloc : memref<!tpu.dma_semaphore, #tpu.memory_space<semaphore_mem>>
      tpu.enqueue_dma source(%arg3 : memref<10000xf32, #tpu.memory_space<hbm>>) target(%arg12 : memref<10000xf32, #tpu.memory_space<vmem>>) target_semaphore(%run_scoped3A : memref<!tpu.dma_semaphore, #tpu.memory_space<semaphore_mem>>)
      tpu.wait_dma2 semaphore(%run_scoped3A : memref<!tpu.dma_semaphore, #tpu.memory_space<semaphore_mem>>) src(%arg3 : memref<10000xf32, #tpu.memory_space<hbm>>) dst(%arg12 : memref<10000xf32, #tpu.memory_space<vmem>>)
      tpu.yield
    }) : () -> ()
    "tpu.region"() ({
      %run_scoped3A = tpu.sem_alloc : memref<!tpu.dma_semaphore, #tpu.memory_space<semaphore_mem>>
      tpu.enqueue_dma source(%arg4 : memref<10000xf32, #tpu.memory_space<hbm>>) target(%arg13 : memref<10000xf32, #tpu.memory_space<vmem>>) target_semaphore(%run_scoped3A : memref<!tpu.dma_semaphore, #tpu.memory_space<semaphore_mem>>)
      tpu.wait_dma2 semaphore(%run_scoped3A : memref<!tpu.dma_semaphore, #tpu.memory_space<semaphore_mem>>) src(%arg4 : memref<10000xf32, #tpu.memory_space<hbm>>) dst(%arg13 : memref<10000xf32, #tpu.memory_space<vmem>>)
      tpu.yield
    }) : () -> ()
    %barrier3A = arith.constant 0 : index
    tpu.barrier barrier_id(%barrier3A)
    %scan3A_26 = arith.constant 0 : i32
    %scan3A_27 = arith.constant 79 : i32
    %scan3A_28 = arith.addi %scan3A_26, %scan3A_27 : i32
    %scan3A_29 = arith.constant 1 : i32
    scf.for %scan3A_37 = %scan3A_26 to %scan3A_28 step %scan3A_29  : i32 {
      %mul3A_38 = arith.constant 32 : i32
      %mul3A_39 = arith.muli %mul3A_38, %scan3A_37 : i32
      %add3A_40 = arith.addi %add3A, %mul3A_39 : i32
      %lt3A = arith.constant 2500 : i32
      %lt3A_41 = arith.cmpi slt, %add3A_40, %lt3A : i32
      %convert_element_type3A = arith.extui %lt3A_41 : i1 to i32
      %cond3A = arith.constant 0 : i32
      %cond3A_42 = arith.cmpi ne, %convert_element_type3A, %cond3A : i32
      scf.if %cond3A_42 {
        %mul3A_43 = arith.constant 128 : i32
        %mul3A_44 = arith.muli %add3A_40, %mul3A_43 : i32
        "tpu.region"() ({
          %run_scoped3A = tpu.sem_alloc : memref<!tpu.dma_semaphore, #tpu.memory_space<semaphore_mem>>
          %dma_start3A_59 = tpu.memref_slice %arg5[%mul3A_44] : memref<320000xi32, #tpu.memory_space<hbm>> -> memref<128xi32, #tpu.memory_space<hbm>>
          %dma_start3A_60 = tpu.memref_slice %arg5[%mul3A_44] : memref<320000xi32, #tpu.memory_space<hbm>> -> memref<128xi32, #tpu.memory_space<hbm>>
          tpu.enqueue_dma source(%dma_start3A_60 : memref<128xi32, #tpu.memory_space<hbm>>) target(%arg14 : memref<128xi32, #tpu.memory_space<vmem>>) target_semaphore(%run_scoped3A : memref<!tpu.dma_semaphore, #tpu.memory_space<semaphore_mem>>)
          %dma_wait3A_61 = tpu.memref_slice %arg5[%mul3A_44] : memref<320000xi32, #tpu.memory_space<hbm>> -> memref<128xi32, #tpu.memory_space<hbm>>
          %dma_wait3A_62 = tpu.memref_slice %arg5[%mul3A_44] : memref<320000xi32, #tpu.memory_space<hbm>> -> memref<128xi32, #tpu.memory_space<hbm>>
          tpu.wait_dma2 semaphore(%run_scoped3A : memref<!tpu.dma_semaphore, #tpu.memory_space<semaphore_mem>>) src(%dma_wait3A_62 : memref<128xi32, #tpu.memory_space<hbm>>) dst(%arg14 : memref<128xi32, #tpu.memory_space<vmem>>)
          tpu.yield
        }) : () -> ()
        "tpu.region"() ({
          %run_scoped3A = tpu.sem_alloc : memref<!tpu.dma_semaphore, #tpu.memory_space<semaphore_mem>>
          %dma_start3A_59 = tpu.memref_slice %arg6[%mul3A_44] : memref<320000xi32, #tpu.memory_space<hbm>> -> memref<128xi32, #tpu.memory_space<hbm>>
          %dma_start3A_60 = tpu.memref_slice %arg6[%mul3A_44] : memref<320000xi32, #tpu.memory_space<hbm>> -> memref<128xi32, #tpu.memory_space<hbm>>
          tpu.enqueue_dma source(%dma_start3A_60 : memref<128xi32, #tpu.memory_space<hbm>>) target(%arg15 : memref<128xi32, #tpu.memory_space<vmem>>) target_semaphore(%run_scoped3A : memref<!tpu.dma_semaphore, #tpu.memory_space<semaphore_mem>>)
          %dma_wait3A_61 = tpu.memref_slice %arg6[%mul3A_44] : memref<320000xi32, #tpu.memory_space<hbm>> -> memref<128xi32, #tpu.memory_space<hbm>>
          %dma_wait3A_62 = tpu.memref_slice %arg6[%mul3A_44] : memref<320000xi32, #tpu.memory_space<hbm>> -> memref<128xi32, #tpu.memory_space<hbm>>
          tpu.wait_dma2 semaphore(%run_scoped3A : memref<!tpu.dma_semaphore, #tpu.memory_space<semaphore_mem>>) src(%dma_wait3A_62 : memref<128xi32, #tpu.memory_space<hbm>>) dst(%arg15 : memref<128xi32, #tpu.memory_space<vmem>>)
          tpu.yield
        }) : () -> ()
        %dma_start3A = arith.constant 0 : i32
        %dma_start3A_45 = arith.constant 0 : i32
        %dma_start3A_46 = tpu.memref_slice %arg2[%dma_start3A, %dma_start3A_45] : memref<10000x128xf32, #tpu.memory_space<hbm>> -> memref<10000x128xf32, #tpu.memory_space<hbm>>
        tpu.enqueue_indirect_dma source(%dma_start3A_46 : memref<10000x128xf32, #tpu.memory_space<hbm>>) target(%arg16 : memref<128x128xf32, #tpu.memory_space<vmem>>) offsets(%arg14 : memref<128xi32, #tpu.memory_space<vmem>>) semaphore(%arg18 : memref<!tpu.dma_semaphore, #tpu.memory_space<semaphore_mem>>)
        %dma_wait3A = arith.constant 0 : i32
        %dma_wait3A_47 = arith.constant 0 : i32
        %dma_wait3A_48 = tpu.memref_slice %arg2[%dma_wait3A, %dma_wait3A_47] : memref<10000x128xf32, #tpu.memory_space<hbm>> -> memref<10000x128xf32, #tpu.memory_space<hbm>>
        tpu.wait_indirect_dma semaphore(%arg18 : memref<!tpu.dma_semaphore, #tpu.memory_space<semaphore_mem>>) src(%dma_wait3A_48 : memref<10000x128xf32, #tpu.memory_space<hbm>>) dst(%arg16 : memref<128x128xf32, #tpu.memory_space<vmem>>)
        %scan3A_49 = arith.constant 0 : i32
        %scan3A_50 = arith.constant 8 : i32
        %scan3A_51 = arith.addi %scan3A_49, %scan3A_50 : i32
        %scan3A_52 = arith.constant 1 : i32
        scf.for %scan3A_59 = %scan3A_49 to %scan3A_51 step %scan3A_52  : i32 {
          %mul3A_60 = arith.constant 16 : i32
          %mul3A_61 = arith.muli %scan3A_59, %mul3A_60 : i32
          %get3A = arith.index_cast %mul3A_61 : i32 to index
          %get3A_62 = tpu.vector_load %arg14[%get3A] {strides = array<i32>} : memref<128xi32, #tpu.memory_space<vmem>>, vector<16xi32>,
          %mul3A_63 = arith.constant 16 : i32
          %mul3A_64 = arith.muli %scan3A_59, %mul3A_63 : i32
          %get3A_65 = arith.index_cast %mul3A_64 : i32 to index
          %get3A_66 = tpu.vector_load %arg15[%get3A_65] {strides = array<i32>} : memref<128xi32, #tpu.memory_space<vmem>>, vector<16xi32>,
          %gather3A = tpu.vector_load_idx %arg12[%get3A_62] : memref<10000xf32, #tpu.memory_space<vmem>>[vector<16xi32>], vector<16xf32>,
          %gather3A_67 = tpu.vector_load_idx %arg13[%get3A_66] : memref<10000xf32, #tpu.memory_space<vmem>>[vector<16xi32>], vector<16xf32>,
          %add3A_68 = arith.addf %gather3A, %gather3A_67 : vector<16xf32>
          %mul3A_69 = arith.constant 2.000000e-01 : f32
          %mul3A_70 = vector.broadcast %mul3A_69 : f32 to vector<16xf32>
          %mul3A_71 = arith.mulf %mul3A_70, %add3A_68 : vector<16xf32>
          %max3A = arith.maximumf %add3A_68, %mul3A_71 : vector<16xf32>
          %exp3A = math.exp %max3A : vector<16xf32>
          %mul3A_72 = arith.constant 16 : i32
          %mul3A_73 = arith.muli %scan3A_59, %mul3A_72 : i32
          %swap3A_74 = arith.index_cast %mul3A_73 : i32 to index
          %swap3A_75 = tpu.vector_load %arg17[%swap3A_74] {strides = array<i32>} : memref<128xf32, #tpu.memory_space<vmem>>, vector<16xf32>,
          tpu.vector_store %arg17[%swap3A_74], %exp3A {strides = array<i32>} : memref<128xf32, #tpu.memory_space<vmem>>, vector<16xf32>,
        }
        %scan3A_53 = arith.constant 8 : i32
        %scan3A_54 = arith.constant 0 : i32
        %scan3A_55 = arith.constant 128 : i32
        %scan3A_56 = arith.addi %scan3A_54, %scan3A_55 : i32
        %scan3A_57 = arith.constant 1 : i32
        scf.for %scan3A_59 = %scan3A_54 to %scan3A_56 step %scan3A_57  : i32 {
          %broadcast_in_dim3A_60 = vector.broadcast %scan3A_59 : i32 to vector<16xi32>
          %gather3A = tpu.vector_load_idx %arg17[%broadcast_in_dim3A_60] : memref<128xf32, #tpu.memory_space<vmem>>[vector<16xi32>], vector<16xf32>,
          %get3A = arith.index_cast %scan3A_59 : i32 to index
          %get3A_61 = arith.constant 0 : index
          %get3A_62 = tpu.vector_load %arg16[%get3A, %get3A_61] {strides = array<i32>} : memref<128x128xf32, #tpu.memory_space<vmem>>, vector<16xf32>,
          %mul3A_63 = arith.mulf %get3A_62, %gather3A : vector<16xf32>
          %swap3A_64 = arith.index_cast %scan3A_59 : i32 to index
          %swap3A_65 = arith.constant 0 : index
          %swap3A_66 = tpu.vector_load %arg16[%swap3A_64, %swap3A_65] {strides = array<i32>} : memref<128x128xf32, #tpu.memory_space<vmem>>, vector<16xf32>,
          tpu.vector_store %arg16[%swap3A_64, %swap3A_65], %mul3A_63 {strides = array<i32>} : memref<128x128xf32, #tpu.memory_space<vmem>>, vector<16xf32>,
          %get3A_67 = arith.index_cast %scan3A_59 : i32 to index
          %get3A_68 = arith.constant 16 : index
          %get3A_69 = tpu.vector_load %arg16[%get3A_67, %get3A_68] {strides = array<i32>} : memref<128x128xf32, #tpu.memory_space<vmem>>, vector<16xf32>,
          %mul3A_70 = arith.mulf %get3A_69, %gather3A : vector<16xf32>
          %swap3A_71 = arith.index_cast %scan3A_59 : i32 to index
          %swap3A_72 = arith.constant 16 : index
          %swap3A_73 = tpu.vector_load %arg16[%swap3A_71, %swap3A_72] {strides = array<i32>} : memref<128x128xf32, #tpu.memory_space<vmem>>, vector<16xf32>,
          tpu.vector_store %arg16[%swap3A_71, %swap3A_72], %mul3A_70 {strides = array<i32>} : memref<128x128xf32, #tpu.memory_space<vmem>>, vector<16xf32>,
          %get3A_74 = arith.index_cast %scan3A_59 : i32 to index
          %get3A_75 = arith.constant 32 : index
          %get3A_76 = tpu.vector_load %arg16[%get3A_74, %get3A_75] {strides = array<i32>} : memref<128x128xf32, #tpu.memory_space<vmem>>, vector<16xf32>,
          %mul3A_77 = arith.mulf %get3A_76, %gather3A : vector<16xf32>
          %swap3A_78 = arith.index_cast %scan3A_59 : i32 to index
          %swap3A_79 = arith.constant 32 : index
          %swap3A_80 = tpu.vector_load %arg16[%swap3A_78, %swap3A_79] {strides = array<i32>} : memref<128x128xf32, #tpu.memory_space<vmem>>, vector<16xf32>,
          tpu.vector_store %arg16[%swap3A_78, %swap3A_79], %mul3A_77 {strides = array<i32>} : memref<128x128xf32, #tpu.memory_space<vmem>>, vector<16xf32>,
          %get3A_81 = arith.index_cast %scan3A_59 : i32 to index
          %get3A_82 = arith.constant 48 : index
          %get3A_83 = tpu.vector_load %arg16[%get3A_81, %get3A_82] {strides = array<i32>} : memref<128x128xf32, #tpu.memory_space<vmem>>, vector<16xf32>,
          %mul3A_84 = arith.mulf %get3A_83, %gather3A : vector<16xf32>
          %swap3A_85 = arith.index_cast %scan3A_59 : i32 to index
          %swap3A_86 = arith.constant 48 : index
          %swap3A_87 = tpu.vector_load %arg16[%swap3A_85, %swap3A_86] {strides = array<i32>} : memref<128x128xf32, #tpu.memory_space<vmem>>, vector<16xf32>,
          tpu.vector_store %arg16[%swap3A_85, %swap3A_86], %mul3A_84 {strides = array<i32>} : memref<128x128xf32, #tpu.memory_space<vmem>>, vector<16xf32>,
          %get3A_88 = arith.index_cast %scan3A_59 : i32 to index
          %get3A_89 = arith.constant 64 : index
          %get3A_90 = tpu.vector_load %arg16[%get3A_88, %get3A_89] {strides = array<i32>} : memref<128x128xf32, #tpu.memory_space<vmem>>, vector<16xf32>,
          %mul3A_91 = arith.mulf %get3A_90, %gather3A : vector<16xf32>
          %swap3A_92 = arith.index_cast %scan3A_59 : i32 to index
          %swap3A_93 = arith.constant 64 : index
          %swap3A_94 = tpu.vector_load %arg16[%swap3A_92, %swap3A_93] {strides = array<i32>} : memref<128x128xf32, #tpu.memory_space<vmem>>, vector<16xf32>,
          tpu.vector_store %arg16[%swap3A_92, %swap3A_93], %mul3A_91 {strides = array<i32>} : memref<128x128xf32, #tpu.memory_space<vmem>>, vector<16xf32>,
          %get3A_95 = arith.index_cast %scan3A_59 : i32 to index
          %get3A_96 = arith.constant 80 : index
          %get3A_97 = tpu.vector_load %arg16[%get3A_95, %get3A_96] {strides = array<i32>} : memref<128x128xf32, #tpu.memory_space<vmem>>, vector<16xf32>,
          %mul3A_98 = arith.mulf %get3A_97, %gather3A : vector<16xf32>
          %swap3A_99 = arith.index_cast %scan3A_59 : i32 to index
          %swap3A_100 = arith.constant 80 : index
          %swap3A_101 = tpu.vector_load %arg16[%swap3A_99, %swap3A_100] {strides = array<i32>} : memref<128x128xf32, #tpu.memory_space<vmem>>, vector<16xf32>,
          tpu.vector_store %arg16[%swap3A_99, %swap3A_100], %mul3A_98 {strides = array<i32>} : memref<128x128xf32, #tpu.memory_space<vmem>>, vector<16xf32>,
          %get3A_102 = arith.index_cast %scan3A_59 : i32 to index
          %get3A_103 = arith.constant 96 : index
          %get3A_104 = tpu.vector_load %arg16[%get3A_102, %get3A_103] {strides = array<i32>} : memref<128x128xf32, #tpu.memory_space<vmem>>, vector<16xf32>,
          %mul3A_105 = arith.mulf %get3A_104, %gather3A : vector<16xf32>
          %swap3A_106 = arith.index_cast %scan3A_59 : i32 to index
          %swap3A_107 = arith.constant 96 : index
          %swap3A_108 = tpu.vector_load %arg16[%swap3A_106, %swap3A_107] {strides = array<i32>} : memref<128x128xf32, #tpu.memory_space<vmem>>, vector<16xf32>,
          tpu.vector_store %arg16[%swap3A_106, %swap3A_107], %mul3A_105 {strides = array<i32>} : memref<128x128xf32, #tpu.memory_space<vmem>>, vector<16xf32>,
          %get3A_109 = arith.index_cast %scan3A_59 : i32 to index
          %get3A_110 = arith.constant 112 : index
          %get3A_111 = tpu.vector_load %arg16[%get3A_109, %get3A_110] {strides = array<i32>} : memref<128x128xf32, #tpu.memory_space<vmem>>, vector<16xf32>,
          %mul3A_112 = arith.mulf %get3A_111, %gather3A : vector<16xf32>
          %swap3A_113 = arith.index_cast %scan3A_59 : i32 to index
          %swap3A_114 = arith.constant 112 : index
          %swap3A_115 = tpu.vector_load %arg16[%swap3A_113, %swap3A_114] {strides = array<i32>} : memref<128x128xf32, #tpu.memory_space<vmem>>, vector<16xf32>,
          tpu.vector_store %arg16[%swap3A_113, %swap3A_114], %mul3A_112 {strides = array<i32>} : memref<128x128xf32, #tpu.memory_space<vmem>>, vector<16xf32>,
        }
        %scan3A_58 = arith.constant 128 : i32
        "tpu.region"() ({
          %run_scoped3A = tpu.sem_alloc : memref<!tpu.dma_semaphore, #tpu.memory_space<semaphore_mem>>
          %dma_start3A_59 = arith.constant 0 : i32
          %dma_start3A_60 = arith.constant 0 : i32
          %dma_start3A_61 = tpu.memref_slice %arg10[%dma_start3A_59, %dma_start3A_60] : memref<10000x128xf32, #tpu.memory_space<vmem_shared>> -> memref<10000x128xf32, #tpu.memory_space<vmem_shared>>
          tpu.enqueue_indirect_dma source(%arg16 : memref<128x128xf32, #tpu.memory_space<vmem>>) target(%dma_start3A_61 : memref<10000x128xf32, #tpu.memory_space<vmem_shared>>) offsets(%arg15 : memref<128xi32, #tpu.memory_space<vmem>>) semaphore(%run_scoped3A : memref<!tpu.dma_semaphore, #tpu.memory_space<semaphore_mem>>) {add = true}
          %dma_wait3A_62 = arith.constant 0 : i32
          %dma_wait3A_63 = arith.constant 0 : i32
          %dma_wait3A_64 = tpu.memref_slice %arg10[%dma_wait3A_62, %dma_wait3A_63] : memref<10000x128xf32, #tpu.memory_space<vmem_shared>> -> memref<10000x128xf32, #tpu.memory_space<vmem_shared>>
          tpu.wait_indirect_dma semaphore(%run_scoped3A : memref<!tpu.dma_semaphore, #tpu.memory_space<semaphore_mem>>) src(%arg16 : memref<128x128xf32, #tpu.memory_space<vmem>>) dst(%dma_wait3A_64 : memref<10000x128xf32, #tpu.memory_space<vmem_shared>>)
          tpu.yield
        }) : () -> ()
        "tpu.region"() ({
          %run_scoped3A = tpu.sem_alloc : memref<!tpu.dma_semaphore, #tpu.memory_space<semaphore_mem>>
          %dma_start3A_59 = arith.constant 0 : i32
          %dma_start3A_60 = tpu.memref_slice %arg11[%dma_start3A_59] : memref<10000xf32, #tpu.memory_space<vmem_shared>> -> memref<10000xf32, #tpu.memory_space<vmem_shared>>
          tpu.enqueue_indirect_dma source(%arg17 : memref<128xf32, #tpu.memory_space<vmem>>) target(%dma_start3A_60 : memref<10000xf32, #tpu.memory_space<vmem_shared>>) offsets(%arg15 : memref<128xi32, #tpu.memory_space<vmem>>) semaphore(%run_scoped3A : memref<!tpu.dma_semaphore, #tpu.memory_space<semaphore_mem>>) {add = true}
          %dma_wait3A_61 = arith.constant 0 : i32
          %dma_wait3A_62 = tpu.memref_slice %arg11[%dma_wait3A_61] : memref<10000xf32, #tpu.memory_space<vmem_shared>> -> memref<10000xf32, #tpu.memory_space<vmem_shared>>
          tpu.wait_indirect_dma semaphore(%run_scoped3A : memref<!tpu.dma_semaphore, #tpu.memory_space<semaphore_mem>>) src(%arg17 : memref<128xf32, #tpu.memory_space<vmem>>) dst(%dma_wait3A_62 : memref<10000xf32, #tpu.memory_space<vmem_shared>>)
          tpu.yield
        }) : () -> ()
      } else {
      }
    }
    %scan3A_30 = arith.constant 79 : i32
    %barrier3A_31 = arith.constant 0 : index
    tpu.barrier barrier_id(%barrier3A_31)
    %scan3A_32 = arith.constant 0 : i32
    %scan3A_33 = arith.constant 8 : i32
    %scan3A_34 = arith.addi %scan3A_32, %scan3A_33 : i32
    %scan3A_35 = arith.constant 1 : i32
    scf.for %scan3A_37 = %scan3A_32 to %scan3A_34 step %scan3A_35  : i32 {
      %mul3A_38 = arith.constant 16 : i32
      %mul3A_39 = arith.muli %mul3A_38, %scan3A_37 : i32
      %add3A_40 = arith.addi %arg1, %mul3A_39 : i32
      %lt3A = arith.constant 125 : i32
      %lt3A_41 = arith.cmpi slt, %add3A_40, %lt3A : i32
      %convert_element_type3A = arith.extui %lt3A_41 : i1 to i32
      %cond3A = arith.constant 0 : i32
      %cond3A_42 = arith.cmpi ne, %convert_element_type3A, %cond3A : i32
      scf.if %cond3A_42 {
        %mul3A_43 = arith.constant 80 : i32
        %mul3A_44 = arith.muli %add3A_40, %mul3A_43 : i32
        "tpu.region"() ({
          %run_scoped3A = tpu.sem_alloc : memref<!tpu.dma_semaphore, #tpu.memory_space<semaphore_mem>>
          %dma_start3A = arith.constant 0 : i32
          %dma_start3A_54 = tpu.memref_slice %arg7[%arg0, %mul3A_44, %dma_start3A] : memref<2x10000x128xf32, #tpu.memory_space<hbm>> -> memref<1x80x128xf32, #tpu.memory_space<hbm>>
          %dma_start3A_55 = tpu.memref_squeeze %dma_start3A_54 : memref<1x80x128xf32, #tpu.memory_space<hbm>> -> memref<80x128xf32, #tpu.memory_space<hbm>>
          %dma_start3A_56 = arith.constant 0 : i32
          %dma_start3A_57 = tpu.memref_slice %arg10[%mul3A_44, %dma_start3A_56] : memref<10000x128xf32, #tpu.memory_space<vmem_shared>> -> memref<80x128xf32, #tpu.memory_space<vmem_shared>>
          tpu.enqueue_dma source(%dma_start3A_57 : memref<80x128xf32, #tpu.memory_space<vmem_shared>>) target(%dma_start3A_55 : memref<80x128xf32, #tpu.memory_space<hbm>>) target_semaphore(%run_scoped3A : memref<!tpu.dma_semaphore, #tpu.memory_space<semaphore_mem>>)
          %dma_wait3A = arith.constant 0 : i32
          %dma_wait3A_58 = tpu.memref_slice %arg7[%arg0, %mul3A_44, %dma_wait3A] : memref<2x10000x128xf32, #tpu.memory_space<hbm>> -> memref<1x80x128xf32, #tpu.memory_space<hbm>>
          %dma_wait3A_59 = tpu.memref_squeeze %dma_wait3A_58 : memref<1x80x128xf32, #tpu.memory_space<hbm>> -> memref<80x128xf32, #tpu.memory_space<hbm>>
          %dma_wait3A_60 = arith.constant 0 : i32
          %dma_wait3A_61 = tpu.memref_slice %arg10[%mul3A_44, %dma_wait3A_60] : memref<10000x128xf32, #tpu.memory_space<vmem_shared>> -> memref<80x128xf32, #tpu.memory_space<vmem_shared>>
          tpu.wait_dma2 semaphore(%run_scoped3A : memref<!tpu.dma_semaphore, #tpu.memory_space<semaphore_mem>>) src(%dma_wait3A_61 : memref<80x128xf32, #tpu.memory_space<vmem_shared>>) dst(%dma_wait3A_59 : memref<80x128xf32, #tpu.memory_space<hbm>>)
          tpu.yield
        }) : () -> ()
        "tpu.region"() ({
          %run_scoped3A = tpu.sem_alloc : memref<!tpu.dma_semaphore, #tpu.memory_space<semaphore_mem>>
          %dma_start3A = arith.constant 0 : i32
          %dma_start3A_54 = tpu.memref_slice %arg17[%dma_start3A] : memref<128xf32, #tpu.memory_space<vmem>> -> memref<80xf32, #tpu.memory_space<vmem>>
          %dma_start3A_55 = tpu.memref_slice %arg11[%mul3A_44] : memref<10000xf32, #tpu.memory_space<vmem_shared>> -> memref<80xf32, #tpu.memory_space<vmem_shared>>
          %dma_start3A_56 = arith.constant 0 : i32
          %dma_start3A_57 = tpu.memref_slice %arg17[%dma_start3A_56] : memref<128xf32, #tpu.memory_space<vmem>> -> memref<80xf32, #tpu.memory_space<vmem>>
          %dma_start3A_58 = tpu.memref_slice %arg11[%mul3A_44] : memref<10000xf32, #tpu.memory_space<vmem_shared>> -> memref<80xf32, #tpu.memory_space<vmem_shared>>
          tpu.enqueue_dma source(%dma_start3A_58 : memref<80xf32, #tpu.memory_space<vmem_shared>>) target(%dma_start3A_57 : memref<80xf32, #tpu.memory_space<vmem>>) target_semaphore(%run_scoped3A : memref<!tpu.dma_semaphore, #tpu.memory_space<semaphore_mem>>)
          %dma_wait3A = arith.constant 0 : i32
          %dma_wait3A_59 = tpu.memref_slice %arg17[%dma_wait3A] : memref<128xf32, #tpu.memory_space<vmem>> -> memref<80xf32, #tpu.memory_space<vmem>>
          %dma_wait3A_60 = tpu.memref_slice %arg11[%mul3A_44] : memref<10000xf32, #tpu.memory_space<vmem_shared>> -> memref<80xf32, #tpu.memory_space<vmem_shared>>
          %dma_wait3A_61 = arith.constant 0 : i32
          %dma_wait3A_62 = tpu.memref_slice %arg17[%dma_wait3A_61] : memref<128xf32, #tpu.memory_space<vmem>> -> memref<80xf32, #tpu.memory_space<vmem>>
          %dma_wait3A_63 = tpu.memref_slice %arg11[%mul3A_44] : memref<10000xf32, #tpu.memory_space<vmem_shared>> -> memref<80xf32, #tpu.memory_space<vmem_shared>>
          tpu.wait_dma2 semaphore(%run_scoped3A : memref<!tpu.dma_semaphore, #tpu.memory_space<semaphore_mem>>) src(%dma_wait3A_63 : memref<80xf32, #tpu.memory_space<vmem_shared>>) dst(%dma_wait3A_62 : memref<80xf32, #tpu.memory_space<vmem>>)
          tpu.yield
        }) : () -> ()
        %eq3A = arith.constant 0 : i32
        %eq3A_45 = arith.cmpi eq, %arg0, %eq3A : i32
        %convert_element_type3A_46 = arith.extui %eq3A_45 : i1 to i32
        %cond3A_47 = arith.constant 0 : i32
        %cond3A_48 = arith.cmpi ne, %convert_element_type3A_46, %cond3A_47 : i32
        scf.if %cond3A_48 {
          "tpu.region"() ({
            %run_scoped3A = tpu.sem_alloc : memref<!tpu.dma_semaphore, #tpu.memory_space<semaphore_mem>>
            %dma_start3A = arith.constant 0 : i32
            %dma_start3A_54 = tpu.memref_slice %arg17[%dma_start3A] : memref<128xf32, #tpu.memory_space<vmem>> -> memref<80xf32, #tpu.memory_space<vmem>>
            %dma_start3A_55 = tpu.memref_slice %arg8[%mul3A_44] : memref<10000xf32, #tpu.memory_space<hbm>> -> memref<80xf32, #tpu.memory_space<hbm>>
            %dma_start3A_56 = tpu.memref_slice %arg8[%mul3A_44] : memref<10000xf32, #tpu.memory_space<hbm>> -> memref<80xf32, #tpu.memory_space<hbm>>
            %dma_start3A_57 = arith.constant 0 : i32
            %dma_start3A_58 = tpu.memref_slice %arg17[%dma_start3A_57] : memref<128xf32, #tpu.memory_space<vmem>> -> memref<80xf32, #tpu.memory_space<vmem>>
            tpu.enqueue_dma source(%dma_start3A_58 : memref<80xf32, #tpu.memory_space<vmem>>) target(%dma_start3A_56 : memref<80xf32, #tpu.memory_space<hbm>>) target_semaphore(%run_scoped3A : memref<!tpu.dma_semaphore, #tpu.memory_space<semaphore_mem>>)
            %dma_wait3A = arith.constant 0 : i32
            %dma_wait3A_59 = tpu.memref_slice %arg17[%dma_wait3A] : memref<128xf32, #tpu.memory_space<vmem>> -> memref<80xf32, #tpu.memory_space<vmem>>
            %dma_wait3A_60 = tpu.memref_slice %arg8[%mul3A_44] : memref<10000xf32, #tpu.memory_space<hbm>> -> memref<80xf32, #tpu.memory_space<hbm>>
            %dma_wait3A_61 = tpu.memref_slice %arg8[%mul3A_44] : memref<10000xf32, #tpu.memory_space<hbm>> -> memref<80xf32, #tpu.memory_space<hbm>>
            %dma_wait3A_62 = arith.constant 0 : i32
            %dma_wait3A_63 = tpu.memref_slice %arg17[%dma_wait3A_62] : memref<128xf32, #tpu.memory_space<vmem>> -> memref<80xf32, #tpu.memory_space<vmem>>
            tpu.wait_dma2 semaphore(%run_scoped3A : memref<!tpu.dma_semaphore, #tpu.memory_space<semaphore_mem>>) src(%dma_wait3A_63 : memref<80xf32, #tpu.memory_space<vmem>>) dst(%dma_wait3A_61 : memref<80xf32, #tpu.memory_space<hbm>>)
            tpu.yield
          }) : () -> ()
        } else {
        }
        %eq3A_49 = arith.constant 1 : i32
        %eq3A_50 = arith.cmpi eq, %arg0, %eq3A_49 : i32
        %convert_element_type3A_51 = arith.extui %eq3A_50 : i1 to i32
        %cond3A_52 = arith.constant 0 : i32
        %cond3A_53 = arith.cmpi ne, %convert_element_type3A_51, %cond3A_52 : i32
        scf.if %cond3A_53 {
          "tpu.region"() ({
            %run_scoped3A = tpu.sem_alloc : memref<!tpu.dma_semaphore, #tpu.memory_space<semaphore_mem>>
            %dma_start3A = arith.constant 0 : i32
            %dma_start3A_54 = tpu.memref_slice %arg17[%dma_start3A] : memref<128xf32, #tpu.memory_space<vmem>> -> memref<80xf32, #tpu.memory_space<vmem>>
            %dma_start3A_55 = tpu.memref_slice %arg9[%mul3A_44] : memref<10000xf32, #tpu.memory_space<hbm>> -> memref<80xf32, #tpu.memory_space<hbm>>
            %dma_start3A_56 = tpu.memref_slice %arg9[%mul3A_44] : memref<10000xf32, #tpu.memory_space<hbm>> -> memref<80xf32, #tpu.memory_space<hbm>>
            %dma_start3A_57 = arith.constant 0 : i32
            %dma_start3A_58 = tpu.memref_slice %arg17[%dma_start3A_57] : memref<128xf32, #tpu.memory_space<vmem>> -> memref<80xf32, #tpu.memory_space<vmem>>
            tpu.enqueue_dma source(%dma_start3A_58 : memref<80xf32, #tpu.memory_space<vmem>>) target(%dma_start3A_56 : memref<80xf32, #tpu.memory_space<hbm>>) target_semaphore(%run_scoped3A : memref<!tpu.dma_semaphore, #tpu.memory_space<semaphore_mem>>)
            %dma_wait3A = arith.constant 0 : i32
            %dma_wait3A_59 = tpu.memref_slice %arg17[%dma_wait3A] : memref<128xf32, #tpu.memory_space<vmem>> -> memref<80xf32, #tpu.memory_space<vmem>>
            %dma_wait3A_60 = tpu.memref_slice %arg9[%mul3A_44] : memref<10000xf32, #tpu.memory_space<hbm>> -> memref<80xf32, #tpu.memory_space<hbm>>
            %dma_wait3A_61 = tpu.memref_slice %arg9[%mul3A_44] : memref<10000xf32, #tpu.memory_space<hbm>> -> memref<80xf32, #tpu.memory_space<hbm>>
            %dma_wait3A_62 = arith.constant 0 : i32
            %dma_wait3A_63 = tpu.memref_slice %arg17[%dma_wait3A_62] : memref<128xf32, #tpu.memory_space<vmem>> -> memref<80xf32, #tpu.memory_space<vmem>>
            tpu.wait_dma2 semaphore(%run_scoped3A : memref<!tpu.dma_semaphore, #tpu.memory_space<semaphore_mem>>) src(%dma_wait3A_63 : memref<80xf32, #tpu.memory_space<vmem>>) dst(%dma_wait3A_61 : memref<80xf32, #tpu.memory_space<hbm>>)
            tpu.yield
          }) : () -> ()
        } else {
        }
      } else {
      }
    }
    %scan3A_36 = arith.constant 8 : i32
    return
  }
}

</mosaic_0001>

<sc_bundles>
// kernel: _edge_pass.3.cloned.1.call-start
scs
__scs_entry_jumppad:
0x0: {  	(pc) =	sbr.rel $0x88, $3  }
0x1: {  	(tag) =	ssettag $0x0;
	lr =	simm.s32 $0x1  }
0x2: {  	[smem:$0x3F9C] =	sst lr;
	_ =	strace $0xD0000000  }
0x3: {  	_ = 	snop  }
0x4: {  	_ = 	snop  }
0x5: {  	_ = 	snop  }
0x6: {  	_ = 	snop  }
0x7: {  	_ = 	snop  }
__scs_overlays_trampoline_lowered:
0x8: {  	[smem:$0x3FAB] =	sst s0  }
0x9: {  	[smem:$0x3FAC] =	sst s1  }
0xa: {  	[smem:$0x3FAD] =	sst s2  }
0xb: {  	[smem:$0x3FAE] =	sst s3  }
0xc: {  	[smem:$0x3FAF] =	sst s4  }
0xd: {  	[smem:$0x3FB0] =	sst s5  }
0xe: {  	[smem:$0x3FB1] =	sst s6  }
0xf: {  	[smem:$0x3FB2] =	sst s7  }
0x10: {  	[smem:$0x3FB3] =	sst s8  }
0x11: {  	[smem:$0x3FB4] =	sst s9;
	s0 =	simm.s32 @!p0 $0x0  }
0x12: {  	s1 =	sld [smem:$0x3F9A];
	s0 =	simm.s32 @p0 $0x1  }
0x13: {  	[smem:$0x3FB5] =	sst s0;
	s0 =	simm.s32 @!p1 $0x0  }
0x14: {  	s2 =	sld [smem:$0x3F99];
	s0 =	simm.s32 @p1 $0x1  }
0x15: {  	[smem:$0x3FB6] =	sst s0;
	s0 =	simm.s32 @!p2 $0x0  }
0x16: {  	s3 =	sld [smem:$0x3FDB];
	s0 =	simm.s32 @p2 $0x1  }
0x17: {  	s4 =	simm.s32 $0x1BF5;
	[smem:$0x3FB8] =	sst s0  }
0x18: {  	s0 =	sld [smem:$0x3F9B];
	_ =	swait.ge [sflag:s4], $0x0  }
0x19: {  	s7 =	sld [smem:$0x3F9C]  }
0x1a: {  	s8 =	sadd.s32 $0xFFFFE003, lr  }
0x1b: {  	s9 =	sadd.s32 $0xFFFFFEF7, lr;
	s5 =	simm.s32 $0xFFFFFFFF;
	p2 =	slt.u32 s8, $0xFFFFF086  }
0x1c: {  	p1 =	slt.u32 s9, $0xF7A;
	s5 =	simm.s32 @!p2 $0x0  }
0x1d: {  	s5 =	simm.s32 @p1 $0x1;
	p0 =	seq.s32 s7, s2  }
0x1e: {  	s7 =	smul.u32 @!p0 $0xF7A, s2;
	p2 =	seq.s32 @!p0 s5, $0x0  }
0x1f: {  	s9 =	smul.u32 $0xF7A, s1;
	s8 =	simm.s32 @!p0 $0x1BF5;
	p2 =	por !p2, p0  }
0x20: {  	[sflag:s8] =	ssyncset.s32 @!p0 $0xFFFFF086;
	s6 =	sadd.s32 @!p0 s3, s7;
	s7 =	simm.s32 @!p0 $0x108  }
0x21: {  	s3 =	sadd.s32 s3, s9;
	s6 =	sadd.s32 @!p0 $0x88, s6;
	s7 =	simm.s32 @p2 $0x1082  }
0x22: {  	[simem:s7], [sflag:s8] =	dma.local @!p0 [hbm:s6], $0xF7A  }
0x23: {  	s9 =	sor.u32 $0xD0000000, s2;
	s6 =	simm.s32 $0x108;
	_ =	swait.ge @!p0 [sflag:s8], $0x0  }
0x24: {  	s3 =	sadd.s32 $0x88, s3;
	s6 =	simm.s32 @!p1 $0x1082;
	[sflag:s4] =	ssyncset.s32 $0xFFFFF086  }
0x25: {  	[simem:s6], [sflag:s4] =	dma.local [hbm:s3], $0xF7A  }
0x26: {  	[smem:$0x3F9C] =	sst s1;
	(tag) =	ssettag s2;
	_ =	strace s9  }
0x27: {  	s1 =	sld [smem:$0x3FAC]  }
0x28: {  	s2 =	sld [smem:$0x3FAD]  }
0x29: {  	s4 =	sld [smem:$0x3FAF]  }
0x2a: {  	p0 =	seq.s32 s5, $0x0;
	s5 =	sld [smem:$0x3FB0]  }
0x2b: {  	s6 =	sld [smem:$0x3FB1]  }
0x2c: {  	s7 =	sld [smem:$0x3FB2]  }
0x2d: {  	s3 =	simm.s32 $0x108;
	s8 =	sld [smem:$0x3FB3]  }
0x2e: {  	s3 =	simm.s32 @!p0 $0x1082;
	s9 =	sld [smem:$0x3FB4]  }
0x2f: {  	lr =	sadd.s32 s0, s3;
	s0 =	sld [smem:$0x3FAB]  }
0x30: {  	s3 =	sld [smem:$0x3FAE]  }
0x31: {  	[smem:$0x3FB7] =	sst s10  }
0x32: {  	s10 =	sld [smem:$0x3FB5];
	_ =	sdelay $0x3  }
0x33: {  	p0 =	seq.s32 s10, $0x1;
	s10 =	sld [smem:$0x3FB7];
	_ =	sdelay $0x3  }
0x34: {  	[smem:$0x3FB7] =	sst s10  }
0x35: {  	s10 =	sld [smem:$0x3FB6];
	_ =	sdelay $0x3  }
0x36: {  	p1 =	seq.s32 s10, $0x1;
	s10 =	sld [smem:$0x3FB7];
	_ =	sdelay $0x3  }
0x37: {  	[smem:$0x3FB7] =	sst s10  }
0x38: {  	s10 =	sld [smem:$0x3FB8]  }
0x39: {  	_ = 	snop;
	(pc) =	sbr.ind lr, $3  }
0x3a: {  	_ = 	snop  }
0x3b: {  	_ = 	snop  }
0x3c: {  	p2 =	seq.s32 s10, $0x1;
	s10 =	sld [smem:$0x3FB7]  }
0x3d: {  	_ =	shalt  }
0x3e: {  	_ =	shalt  }
0x3f: {  	_ =	shalt  }
0x40: {  	_ =	shalt  }
0x41: {  	_ =	shalt  }
0x42: {  	_ =	shalt  }
0x43: {  	_ =	shalt  }
0x44: {  	_ =	shalt  }
0x45: {  	_ =	shalt  }
0x46: {  	_ =	shalt  }
0x47: {  	_ =	shalt  }
0x48: {  	_ =	shalt  }
0x49: {  	_ =	shalt  }
0x4a: {  	_ =	shalt  }
0x4b: {  	_ =	shalt  }
0x4c: {  	_ =	shalt  }
0x4d: {  	_ =	shalt  }
0x4e: {  	_ =	shalt  }
0x4f: {  	_ =	shalt  }
0x50: {  	_ =	shalt  }
0x51: {  	_ =	shalt  }
0x52: {  	_ =	shalt  }
0x53: {  	_ =	shalt  }
0x54: {  	_ =	shalt  }
0x55: {  	_ =	shalt  }
0x56: {  	_ =	shalt  }
0x57: {  	_ =	shalt  }
0x58: {  	_ =	shalt  }
0x59: {  	_ =	shalt  }
0x5a: {  	_ =	shalt  }
0x5b: {  	_ =	shalt  }
0x5c: {  	_ =	shalt  }
0x5d: {  	_ =	shalt  }
0x5e: {  	_ =	shalt  }
0x5f: {  	_ =	shalt  }
0x60: {  	_ =	shalt  }
0x61: {  	_ =	shalt  }
0x62: {  	_ =	shalt  }
0x63: {  	_ =	shalt  }
0x64: {  	_ =	shalt  }
0x65: {  	_ =	shalt  }
0x66: {  	_ =	shalt  }
0x67: {  	_ =	shalt  }
0x68: {  	_ =	shalt  }
0x69: {  	_ =	shalt  }
0x6a: {  	_ =	shalt  }
0x6b: {  	_ =	shalt  }
0x6c: {  	_ =	shalt  }
0x6d: {  	_ =	shalt  }
0x6e: {  	_ =	shalt  }
0x6f: {  	_ =	shalt  }
0x70: {  	_ =	shalt  }
0x71: {  	_ =	shalt  }
0x72: {  	_ =	shalt  }
0x73: {  	_ =	shalt  }
0x74: {  	_ =	shalt  }
0x75: {  	_ =	shalt  }
0x76: {  	_ =	shalt  }
0x77: {  	_ =	shalt  }
0x78: {  	_ =	shalt  }
0x79: {  	_ =	shalt  }
0x7a: {  	_ =	shalt  }
0x7b: {  	_ =	shalt  }
0x7c: {  	_ =	shalt  }
0x7d: {  	_ =	shalt  }
0x7e: {  	_ =	shalt  }
0x7f: {  	_ =	shalt  }
0x80: {  	_ =	shalt  }
0x81: {  	_ =	shalt  }
0x82: {  	_ =	shalt  }
0x83: {  	_ =	shalt  }
0x84: {  	_ =	shalt  }
0x85: {  	_ =	shalt  }
0x86: {  	_ =	shalt  }
0x87: {  	_ =	shalt  }
.Lfunc_end0:
.L_simem_size_0:
called_computation_lowered:
.L_overlay_start_0:
0x88: {  	s2 =	sld [smem:$0x3FD9]  }
0x89: {  	s3 =	sld [smem:$0x3FFE];
	_ =	sdelay $0x1  }
0x8a: {  	s1 =	srdreg.scid  }
0x8b: {  	s0 =	sand.u32 $0x1, s1  }
0x8c: {  	s14 =	sshll.u32 s0, $0xA;
	s2 =	sadd.s32 s3, s2  }
0x8d: {  	s2 =	sadd.s32 s2, s14  }
0x8e: {  	[smem:$0x3FC3] =	sst s2  }
0x8f: {  	_ = 	snop  }
0x90: {  	s2 =	sld [smem:$0x3FC9]  }
0x91: {  	s15 =	sld [smem:$0x3FC8]  }
0x92: {  	s4 =	sld [smem:$0x3FD0]  }
0x93: {  	s5 =	sld [smem:$0x3FC7]  }
0x94: {  	s6 =	sld [smem:$0x3FC6]  }
0x95: {  	s8 =	simm.s32 $0xA;
	s9 =	simm.s32 $0x10;
	s7 =	sld [smem:$0x3FC5]  }
0x96: {  	[smem:s9], [sflag:s8] =	dma.local [hbm:s4], $0x1  }
0x97: {  	_ =	swait.eq [sflag:s8], $0x1  }
0x98: {  	[sflag:s8] =	ssyncset.done $0x0  }
0x99: {  	s16 =	sld [smem:$0x10];
	[sflag:s8] =	ssyncadd.s32 $0xFFFFFFFF  }
0x9a: {  	s17 =	sld [smem:$0x11];
	(tm) =	ssettm $0x1  }
0x9b: {  	s18 =	sld [smem:$0x3FFB];
	_ =	sdelay $0x3  }
0x9c: {  	_ =	strace s18  }
0x9d: {  	s9 =	sld [smem:$0x3FFC];
	_ =	sdelay $0x3  }
0x9e: {  	_ =	strace s9  }
0x9f: {  	s9 =	sld [smem:$0x3FFD];
	_ =	sdelay $0x3  }
0xa0: {  	_ =	strace s9  }
0xa1: {  	_ =	strace $0x8FFFFFFF  }
0xa2: {  	s19 =	sld [smem:$0x3FDB];
	_ =	sdelay $0x1  }
0xa3: {  	s10 =	simm.s32 $_scs_section_size  }
0xa4: {  	s11 =	simm.s32 $_size__tile_overlayer_lowered;
	s12 =	simm.s32 $_tile_overlayer_lowered  }
0xa5: {  	s22 =	simm.s32 $0x1BFF;
	s21 =	sshll.u32 s12, $0x1;
	s9 =	sadd.s32 s10, s19  }
0xa6: {  	s13 =	simm.s32 $0x0;
	s20 =	sshll.u32 s11, $0x1;
	s11 =	sadd.s32 s21, s9  }
0xa7: {  	[timem:s13], [sflag:s22] =	dma.local [hbm:s11], s20  }
0xa8: {  	_ =	swait.ge [sflag:s22], s20  }
0xa9: {  	s10 =	ssub.s32 $0x0, s20;
	[sflag:s22] =	ssyncset.done $0x0  }
0xaa: {  	[sflag:s22] =	ssyncadd.s32 s10;
	_ =	sdelay $0x1  }
0xab: {  	s23 =	simm.s32 $0x1B8B  }
0xac: {  	_ =	swait.ge [sflag:s23], $0x1  }
0xad: {  	[sflag:s23] =	ssyncset.done $0x0  }
0xae: {  	s25 =	simm.s32 $0x1B8E;
	s24 =	sld [smem:$0x3FFE];
	[sflag:s23] =	ssyncadd.s32 $0xFFFFFFFF  }
0xaf: {  	s26 =	simm.s32 $execute0_lowered;
	[smem:$0x3FD2] =	sst s25  }
0xb0: {  	s11 =	sshll.u32 s26, $0x1;
	_ =	strace $0x80000046;
	[dreg:$0x1] =	wrdreg $0xFFFFFFFF  }
0xb1: {  	s28 =	simm.s32 $_size_execute0_lowered;
	s9 =	sadd.s32 s9, s11;
	[dreg:$0x0] =	wrdreg $0x0  }
0xb2: {  	s11 =	sshll.u32 s28, $0x1;
	[dreg:$0x2] =	wrdreg s9  }
0xb3: {  	[dreg:$0x3] =	wrdreg s11  }
0xb4: {  	[dreg:$0x4] =	wrdreg $0xC0  }
0xb5: {  	_ =	task [dreg:s13], $0x5FFFF  }
0xb6: {  	[dreg:$0x1] =	wrdreg $0xFFFFFFFF  }
0xb7: {  	[dreg:$0x0] =	wrdreg $0x60  }
0xb8: {  	[dreg:$0x2] =	wrdreg s2  }
0xb9: {  	[dreg:$0x3] =	wrdreg s15  }
0xba: {  	[dreg:$0x4] =	wrdreg s5  }
0xbb: {  	[dreg:$0x5] =	wrdreg s6  }
0xbc: {  	[dreg:$0x6] =	wrdreg s7  }
0xbd: {  	[dreg:$0x7] =	wrdreg s16  }
0xbe: {  	[dreg:$0x8] =	wrdreg s17  }
0xbf: {  	[dreg:$0x9] =	wrdreg s24  }
0xc0: {  	[dreg:$0xa] =	wrdreg $0x0  }
0xc1: {  	[dreg:$0xb] =	wrdreg $0x138800  }
0xc2: {  	[dreg:$0xc] =	wrdreg $0x9  }
0xc3: {  	_ =	task.clear_ibuf [dreg:s13], $0xDFFFF;
	_ =	strace $0x90000046  }
0xc4: {  	s29 =	simm.s32 $0x9;
	_ =	strace $0x80000048  }
0xc5: {  	_ =	swait.ge [sflag:s29], $0x1  }
0xc6: {  	[sflag:s29] =	ssyncadd.s32 $0xFFFFFFFF  }
0xc7: {  	_ =	strace $0x90000048  }
0xc8: {  	_ =	sfence  }
0xc9: {  	s30 =	sld [smem:$0x0];
	_ =	sdelay $0x2  }
0xca: {  	s31 =	sshll.u32 s1, $0xD;
	s1 =	sshrl.u32 s1, $0x2  }
0xcb: {  	s3 =	sand.u32 $0x4000, s31;
	s1 =	sadd.s32 s1, s30  }
0xcc: {  	s0 =	sor.u32 s3, s0;
	s1 =	sshll.u32 s1, $0x11  }
0xcd: {  	s0 =	sor.u32 s1, s0  }
0xce: {  	s0 =	sadd.s32 $0x8F2B, s0  }
0xcf: {  	[sflag:s0] =	ssyncadd.remote.s32 $0x1  }
0xd0: {  	_ =	sfence.sel $0xFFFF  }
0xd1: {  	[dreg:$0x0] =	wrdreg $0xFFFFFFFF;
	(pc) =	sbr.abs _section_cstart, $3  }
0xd2: {  	[dreg:$0x1] =	wrdreg $0xFFFFFFFF  }
0xd3: {  	_ =	task.clear_ibuf [dreg:s13], $0x2FFFF;
	_ =	strace $0x9FFFFFFF  }
0xd4: {  	(tm) =	ssettm $0x7FFFFFFF  }
0xd5: {  	_ =	shalt  }
tec
execute0_lowered:
.L_overlay_start_1:
0x0: {  	(tag) =	ssettag $0x1  }
0x1: {  	s0 =	rddreg [dreg:$0x0]  }
0x2: {  	s3 =	rddreg [dreg:$0x3]  }
0x3: {  	s5 =	rddreg [dreg:$0x4]  }
0x4: {  	s1 =	rddreg [dreg:$0x5]  }
0x5: {  	s2 =	rddreg [dreg:$0x6]  }
0x6: {  	s4 =	rddreg [dreg:$0x7]  }
0x7: {  	s6 =	rddreg [dreg:$0x8];
	s9 =	srdreg.scid  }
0x8: {  	s7 =	rddreg [dreg:$0x9];
	s10 =	sand.u32 $0x1, s9  }
0x9: {  	s20 =	simm.s32 $0x0;
	s9 =	stileid.u32;
	s14 =	smul.u32 $0x138800, s10  }
0xa: {  	[smem:$0x7FF] =	sst s20;
	s4 =	sadd.s32 $0x800, s4;
	s26 =	smul.u32 $0xA000, s9  }
0xb: {  	_ =	strace $0x80000047;
	s13 =	smul.u32 $0x140, s9;
	s15 =	sor.u32 $0x10, s9  }
0xc: {  	s11 =	ssub.s32 $0x2, s10;
	p0 =	seq.s32 s10, $0x1;
	s16 =	smul.u32 $0xA000, s15  }
0xd: {  	s17 =	sor.u32 $0x20, s9;
	s25 =	sor.u32 $0x40, s9;
	s15 =	smul.u32 $0x140, s15  }
0xe: {  	s31 =	sshll.u32 s9, $0x1;
	s12 =	sshrl.u32 s11, $0x1;
	s29 =	smul.u32 $0xA000, s17  }
0xf: {  	s17 =	smul.u32 $0x140, s17;
	s2 =	smov.u32 @p0 s4;
	s11 =	ssub.s32 s11, s12  }
0x10: {  	s28 =	sshrl.u32 s26, $0x2;
	s13 =	sshrl.u32 s13, $0x2;
	s12 =	sor.u32 $0x30, s9  }
0x11: {  	s26 =	smul.u32 $0x2800, s9;
	s11 =	smax.u32 s11, $0x1;
	s22 =	sadd.s32 s28, s6  }
0x12: {  	s13 =	sadd.s32 s13, s7;
	s16 =	sshrl.u32 s16, $0x2;
	s18 =	smul.u32 $0xA000, s12  }
0x13: {  	s15 =	sshrl.u32 s15, $0x2;
	s17 =	sshrl.u32 s17, $0x2;
	s23 =	smul.u32 $0x140, s12  }
0x14: {  	s12 =	smul.u32 $0x140, s25;
	[dreg:$0xb] =	wrdreg s11;
	s8 =	sadd.s32 s16, s6  }
0x15: {  	s30 =	sadd.s32 s15, s7;
	s11 =	sshrl.u32 s29, $0x2;
	s21 =	sadd.s32 s17, s7  }
0x16: {  	s29 =	smul.u32 $0xA000, s25;
	s14 =	sadd.s32 s26, s14;
	[dreg:$0xc] =	wrdreg s8  }
0x17: {  	s16 =	sor.u32 $0x50, s9;
	s15 =	simm.s32 $0x16278;
	[dreg:$0xd] =	wrdreg s30  }
0x18: {  	s19 =	sadd.s32 s11, s6;
	[dreg:$0xf] =	wrdreg s21;
	s24 =	sshrl.u32 s18, $0x2  }
0x19: {  	s11 =	sshrl.u32 s23, $0x2;
	s30 =	smul.u32 $0xA, s9;
	s14 =	sshrl.u32 s14, $0x3  }
0x1a: {  	s17 =	smul.u32 $0xA000, s16;
	s18 =	sshrl.u32 s12, $0x2;
	s23 =	sor.u32 $0x70, s9  }
0x1b: {  	[dreg:$0xe] =	wrdreg s19;
	s28 =	sadd.s32 s24, s6;
	s11 =	sadd.s32 s11, s7  }
0x1c: {  	s4 =	sshrl.u32 s29, $0x2;
	s1 =	sadd.s32 s14, s1;
	s19 =	sor.u32 $0x60, s9  }
0x1d: {  	s25 =	smul.u32 $0xA000, s23;
	p1 =	sgt.u32 s23, $0x7C;
	[dreg:$0x10] =	wrdreg s28  }
0x1e: {  	s14 =	simm.s32 $0x13AF8;
	[dreg:$0x11] =	wrdreg s11;
	s21 =	smul.u32 $0xA000, s19  }
0x1f: {  	s2 =	sadd.s32 s30, s2;
	s4 =	sadd.s32 s4, s6;
	s11 =	smul.u32 $0x140, s19  }
0x20: {  	[dreg:$0x14] =	wrdreg s1;
	s1 =	sshrl.u32 s17, $0x2;
	s28 =	smul.u32 $0x140, s23  }
0x21: {  	s17 =	simm.s32 $0x18A78;
	s19 =	simm.s32 $0x1;
	[dreg:$0x12] =	wrdreg s2  }
0x22: {  	[dreg:$0x13] =	wrdreg s4;
	s2 =	smul.u32 $0x140, s16;
	s4 =	sadd.s32 s18, s7  }
0x23: {  	s1 =	sadd.s32 s1, s6;
	s16 =	simm.s32 $0x189F8;
	[dreg:$0x15] =	wrdreg s4  }
0x24: {  	s18 =	simm.s32 $0x80;
	[dreg:$0x16] =	wrdreg s1;
	s1 =	sshrl.u32 s25, $0x2  }
0x25: {  	s26 =	sshrl.u32 s21, $0x2;
	s2 =	sshrl.u32 s2, $0x2;
	s1 =	sadd.s32 s1, s6  }
0x26: {  	s29 =	sshrl.u32 s11, $0x2;
	s24 =	sadd.s32 s2, s7;
	[dreg:$0x1a] =	wrdreg s1  }
0x27: {  	s30 =	sshrl.u32 s28, $0x2;
	s2 =	sadd.s32 s26, s6;
	[dreg:$0x17] =	wrdreg s24  }
0x28: {  	s4 =	simm.s32 $0x18AF8;
	s1 =	sadd.s32 s30, s7;
	[dreg:$0x18] =	wrdreg s2  }
0x29: {  	s11 =	simm.s32 $0x2;
	s2 =	sadd.s32 s29, s7;
	[dreg:$0x1b] =	wrdreg s1  }
0x2a: {  	v0 =	vimm.f32 $0.0e+00;
	s1 =	simm.s32 $0x3;
	[dreg:$0x19] =	wrdreg s2;
	s2 =	simm.s32 $0x1CAF8  }
.LBB2_1:
0x2b: {  	s21 =	simm.s32 $0x0;
	s23 =	simm.s32 $0x200  }
.LBB2_2:
0x2c: {  	p2 =	sne.s32 s23, $0xFE00;
	[tilespmem:s21+$0x18B68] =	vst v0  }
0x2d: {  	[tilespmem:s21+$0x18AF8] =	vst v0  }
0x2e: {  	[tilespmem:s21+$0x18B08] =	vst v0  }
.Ltmp0:
0x2f: {  	[tilespmem:s21+$0x18B18] =	vst v0;
	(pc) =	sbr.rel @p2 .LBB2_2-.Ltmp0, $4  }
0x30: {  	[tilespmem:s21+$0x18B28] =	vst v0  }
0x31: {  	[tilespmem:s21+$0x18B38] =	vst v0  }
0x32: {  	[tilespmem:s21+$0x18B48] =	vst v0  }
0x33: {  	[tilespmem:s21+$0x18B58] =	vst v0;
	s21 =	sshra.s32 s23, $0x2;
	s23 =	sadd.s32 $0x200, s23  }
0x34: {  	[tilespmem:s21+$0x18B68] =	vst v0  }
0x35: {  	[tilespmem:s21+$0x18AF8] =	vst v0  }
0x36: {  	[tilespmem:s21+$0x18B08] =	vst v0  }
0x37: {  	[tilespmem:s21+$0x18B18] =	vst v0  }
0x38: {  	[tilespmem:s21+$0x18B28] =	vst v0  }
0x39: {  	[tilespmem:s21+$0x18B38] =	vst v0  }
0x3a: {  	[tilespmem:s21+$0x18B48] =	vst v0  }
0x3b: {  	[tilespmem:s21+$0x18B58] =	vst v0  }
0x3c: {  	[tilespmem:$0x1CAF8] =	vst v0  }
0x3d: {  	[tilespmem:$0x1CB08] =	vst v0  }
0x3e: {  	[tilespmem:$0x1CB18] =	vst v0  }
0x3f: {  	[tilespmem:$0x1CB28] =	vst v0  }
0x40: {  	[tilespmem:$0x1CB38] =	vst v0  }
0x41: {  	[tilespmem:$0x1CB48] =	vst v0  }
0x42: {  	[tilespmem:$0x1CB58] =	vst v0  }
0x43: {  	[tilespmem:$0x1CB68] =	vst v0  }
0x44: {  	[spmem:s22] =	stream.linear.scatter [tilespmem:s4], [sflag:$0x3], $0x2800, $0x38;
	[tilespmem:$0x1CB78] =	vst v63  }
0x45: {  	_ =	swait.ge [sflag:s1], $0x2800  }
0x46: {  	[sflag:s1] =	ssyncset.done $0x0  }
0x47: {  	[sflag:s1] =	ssyncadd.s32 $0xFFFFD800  }
0x48: {  	[spmem:s13] =	stream.linear.scatter [tilespmem:s2], [sflag:$0x2], $0x50, $0x38;
	[tilespmem:$0x1CB78] =	vst v63  }
0x49: {  	_ =	swait.ge [sflag:s11], $0x50  }
0x4a: {  	[sflag:s11] =	ssyncset.done $0x0  }
0x4b: {  	s8 =	rddreg [dreg:$0xc];
	[sflag:s11] =	ssyncadd.s32 $0xFFFFFFB0  }
0x4c: {  	[spmem:s8] =	stream.linear.scatter [tilespmem:s4], [sflag:$0x3], $0x2800, $0x38;
	[tilespmem:$0x1CB78] =	vst v63  }
0x4d: {  	_ =	swait.ge [sflag:s1], $0x2800  }
0x4e: {  	[sflag:s1] =	ssyncset.done $0x0  }
0x4f: {  	s28 =	rddreg [dreg:$0xd];
	[sflag:s1] =	ssyncadd.s32 $0xFFFFD800  }
0x50: {  	[spmem:s28] =	stream.linear.scatter [tilespmem:s2], [sflag:$0x2], $0x50, $0x38;
	[tilespmem:$0x1CB78] =	vst v63  }
0x51: {  	_ =	swait.ge [sflag:s11], $0x50  }
0x52: {  	[sflag:s11] =	ssyncset.done $0x0  }
0x53: {  	s29 =	rddreg [dreg:$0xe];
	[sflag:s11] =	ssyncadd.s32 $0xFFFFFFB0  }
0x54: {  	[spmem:s29] =	stream.linear.scatter [tilespmem:s4], [sflag:$0x3], $0x2800, $0x38;
	[tilespmem:$0x1CB78] =	vst v63  }
0x55: {  	_ =	swait.ge [sflag:s1], $0x2800  }
0x56: {  	[sflag:s1] =	ssyncset.done $0x0  }
0x57: {  	s30 =	rddreg [dreg:$0xf];
	[sflag:s1] =	ssyncadd.s32 $0xFFFFD800  }
0x58: {  	[spmem:s30] =	stream.linear.scatter [tilespmem:s2], [sflag:$0x2], $0x50, $0x38;
	[tilespmem:$0x1CB78] =	vst v63  }
0x59: {  	_ =	swait.ge [sflag:s11], $0x50  }
0x5a: {  	[sflag:s11] =	ssyncset.done $0x0  }
0x5b: {  	s12 =	rddreg [dreg:$0x10];
	[sflag:s11] =	ssyncadd.s32 $0xFFFFFFB0  }
0x5c: {  	[spmem:s12] =	stream.linear.scatter [tilespmem:s4], [sflag:$0x3], $0x2800, $0x38;
	[tilespmem:$0x1CB78] =	vst v63  }
0x5d: {  	_ =	swait.ge [sflag:s1], $0x2800  }
0x5e: {  	[sflag:s1] =	ssyncset.done $0x0  }
0x5f: {  	s21 =	rddreg [dreg:$0x11];
	[sflag:s1] =	ssyncadd.s32 $0xFFFFD800  }
0x60: {  	[spmem:s21] =	stream.linear.scatter [tilespmem:s2], [sflag:$0x2], $0x50, $0x38;
	[tilespmem:$0x1CB78] =	vst v63  }
0x61: {  	_ =	swait.ge [sflag:s11], $0x50  }
0x62: {  	[sflag:s11] =	ssyncset.done $0x0  }
0x63: {  	s23 =	rddreg [dreg:$0x13];
	[sflag:s11] =	ssyncadd.s32 $0xFFFFFFB0  }
0x64: {  	[spmem:s23] =	stream.linear.scatter [tilespmem:s4], [sflag:$0x3], $0x2800, $0x38;
	[tilespmem:$0x1CB78] =	vst v63  }
0x65: {  	_ =	swait.ge [sflag:s1], $0x2800  }
0x66: {  	[sflag:s1] =	ssyncset.done $0x0  }
0x67: {  	s24 =	rddreg [dreg:$0x15];
	[sflag:s1] =	ssyncadd.s32 $0xFFFFD800  }
0x68: {  	[spmem:s24] =	stream.linear.scatter [tilespmem:s2], [sflag:$0x2], $0x50, $0x38;
	[tilespmem:$0x1CB78] =	vst v63  }
0x69: {  	_ =	swait.ge [sflag:s11], $0x50  }
0x6a: {  	[sflag:s11] =	ssyncset.done $0x0  }
0x6b: {  	s25 =	rddreg [dreg:$0x16];
	[sflag:s11] =	ssyncadd.s32 $0xFFFFFFB0  }
0x6c: {  	[spmem:s25] =	stream.linear.scatter [tilespmem:s4], [sflag:$0x3], $0x2800, $0x38;
	[tilespmem:$0x1CB78] =	vst v63  }
0x6d: {  	_ =	swait.ge [sflag:s1], $0x2800  }
0x6e: {  	[sflag:s1] =	ssyncset.done $0x0  }
0x6f: {  	s26 =	rddreg [dreg:$0x17];
	[sflag:s1] =	ssyncadd.s32 $0xFFFFD800  }
0x70: {  	[spmem:s26] =	stream.linear.scatter [tilespmem:s2], [sflag:$0x2], $0x50, $0x38;
	[tilespmem:$0x1CB78] =	vst v63  }
0x71: {  	_ =	swait.ge [sflag:s11], $0x50  }
0x72: {  	[sflag:s11] =	ssyncset.done $0x0  }
0x73: {  	s28 =	rddreg [dreg:$0x18];
	[sflag:s11] =	ssyncadd.s32 $0xFFFFFFB0  }
0x74: {  	[spmem:s28] =	stream.linear.scatter [tilespmem:s4], [sflag:$0x3], $0x2800, $0x38;
	[tilespmem:$0x1CB78] =	vst v63  }
0x75: {  	_ =	swait.ge [sflag:s1], $0x2800  }
0x76: {  	[sflag:s1] =	ssyncset.done $0x0  }
0x77: {  	s29 =	rddreg [dreg:$0x19];
	[sflag:s1] =	ssyncadd.s32 $0xFFFFD800  }
0x78: {  	[spmem:s29] =	stream.linear.scatter [tilespmem:s2], [sflag:$0x2], $0x50, $0x38;
	[tilespmem:$0x1CB78] =	vst v63  }
0x79: {  	_ =	swait.ge [sflag:s11], $0x50  }
0x7a: {  	[sflag:s11] =	ssyncset.done $0x0  }
0x7b: {  	s21 =	simm.s32 @!p1 $0x18AF8;
	s8 =	rddreg [dreg:$0x1a];
	[sflag:s11] =	ssyncadd.s32 $0xFFFFFFB0  }
0x7c: {  	[spmem:s8] =	stream.linear.scatter @!p1 [tilespmem:s21], [sflag:$0x3], $0x2800, $0x38;
	[tilespmem:$0x1CB78] =	vst v63  }
0x7d: {  	s21 =	simm.s32 @!p1 $0x3  }
0x7e: {  	_ =	swait.ge @!p1 [sflag:s21], $0x2800  }
0x7f: {  	[sflag:s21] =	ssyncset.done @!p1 $0x0  }
0x80: {  	s8 =	rddreg [dreg:$0x1b];
	[sflag:s21] =	ssyncadd.s32 @!p1 $0xFFFFD800;
	s21 =	simm.s32 @!p1 $0x1CAF8  }
0x81: {  	[spmem:s8] =	stream.linear.scatter @!p1 [tilespmem:s21], [sflag:$0x2], $0x50, $0x38;
	[tilespmem:$0x1CB78] =	vst v63  }
0x82: {  	s21 =	simm.s32 @!p1 $0x2  }
0x83: {  	_ =	swait.ge @!p1 [sflag:s21], $0x50  }
0x84: {  	[sflag:s21] =	ssyncset.done @!p1 $0x0  }
0x85: {  	[sflag:s21] =	ssyncadd.s32 @!p1 $0xFFFFFFB0  }
0x86: {  	s21 =	simm.s32 $0x0;
	s12 =	rddreg [dreg:$0x1]  }
0x87: {  	[tilespmem:s14], [sflag:$0x2] =	stream.linear.gather [hbm4b:s12+s21], $0x2780, $0x38;
	[tilespmem:$0x1CB78] =	vst v63  }
0x88: {  	_ =	swait.ge [sflag:s11], $0x2780  }
0x89: {  	[sflag:s11] =	ssyncset.done $0x0  }
0x8a: {  	[sflag:s11] =	ssyncadd.s32 $0xFFFFD880  }
0x8b: {  	s30 =	rddreg [dreg:$0x2]  }
0x8c: {  	[tilespmem:s15], [sflag:$0x2] =	stream.linear.gather [hbm4b:s30+s21], $0x2780, $0x38;
	[tilespmem:$0x1CB78] =	vst v63  }
.Ltmp1:
0x8d: {  	_ =	swait.ge [sflag:s11], $0x2780;
	(pc) =	sbr.rel .LBB2_4-.Ltmp1, $3  }
0x8e: {  	[sflag:s11] =	ssyncset.done $0x0  }
0x8f: {  	[sflag:s11] =	ssyncadd.s32 $0xFFFFD880  }
0x90: {  	[bflag:$0x0] =	sbarrier.arrive $0xFFFF;
	_ =	sdelay $0x1  }
.LBB2_8:
0x91: {  	s21 =	sadd.s32 $0x1, s21  }
0x92: {  	p2 =	sne.s32 s21, $0x4F  }
.Ltmp2:
0x93: {  	_ = 	snop;
	(pc) =	sbr.rel @!p2 .LBB2_9-.Ltmp2, $1  }
0x94: {  	_ =	sdelay $0x3  }
.LBB2_4:
0x95: {  	s23 =	sshll.u32 s21, $0x5  }
0x96: {  	s23 =	sor.u32 s31, s23  }
0x97: {  	p2 =	sgt.u32 s23, $0x9C3  }
.Ltmp3:
0x98: {  	_ = 	snop;
	(pc) =	sbr.rel @p2 .LBB2_8-.Ltmp3, $1  }
0x99: {  	_ =	sdelay $0x3  }
0x9a: {  	s23 =	sor.u32 s10, s23  }
0x9b: {  	s24 =	sshll.u32 s23, $0x4  }
0x9c: {  	s30 =	simm.s32 $0x0;
	s25 =	sadd.s32 s3, s24  }
0x9d: {  	[tilespmem:s16], [sflag:$0x3] =	stream.linear.gather [hbm4b:s25+s30], $0x80, $0x38;
	[tilespmem:$0x1CB78] =	vst v63  }
0x9e: {  	_ =	swait.ge [sflag:s1], $0x80  }
0x9f: {  	[sflag:s1] =	ssyncset.done $0x0  }
0xa0: {  	s24 =	sadd.s32 s5, s24;
	[sflag:s1] =	ssyncadd.s32 $0xFFFFFF80  }
0xa1: {  	[tilespmem:s17], [sflag:$0x3] =	stream.linear.gather [hbm4b:s24+s30], $0x80, $0x38;
	[tilespmem:$0x1CB78] =	vst v63  }
0xa2: {  	_ =	swait.ge [sflag:s1], $0x80  }
0xa3: {  	[sflag:s1] =	ssyncset.done $0x0  }
0xa4: {  	[sflag:s1] =	ssyncadd.s32 $0xFFFFFF80  }
0xa5: {  	[tilespmem:s4], [sflag:$0x1] =	stream.indirect.gather [hbm4b:s0+s18], $0x80, s16, s18, $0xb8;
	[tilespmem:$0x1CB78] =	vst v63  }
0xa6: {  	_ =	swait.ge [sflag:s19], $0x4000  }
0xa7: {  	[sflag:s19] =	ssyncset.done $0x0  }
0xa8: {  	[sflag:s19] =	ssyncadd.s32 $0xFFFFC000  }
0xa9: {  	v1 =	vld [tilespmem:$0x189F8]  }
0xaa: {  	v2 =	vld [tilespmem:$0x18A78];
	_ =	sdelay $0x6  }
0xab: {  	v1 =	vld.idx.msk [tilespmem:v1+s14+$0x0], $0xffff  }
0xac: {  	v2 =	vld.idx.msk [tilespmem:v2+s15+$0x0], $0xffff;
	_ =	sdelay $0x4  }
0xad: {  	v1 =	vadd.f32 v2, v1;
	_ =	sdelay $0x1  }
0xae: {  	v2 =	vmul.f32 $2.000000030e-01, v1;
	_ =	sdelay $0x1  }
0xaf: {  	v1 =	vmax.f32 v1, v2  }
0xb0: {  	v1 =	vmul.f32 $1.442695020e+00, v1;
	_ =	sdelay $0x1  }
0xb1: {  	(erf) = vpow2.f32 v1;
	_ =	sdelay $0x2  }
0xb2: {  	v1 =	vld [tilespmem:$0x18A08]  }
0xb3: {  	v2 =	vld [tilespmem:$0x18A88];
	_ =	sdelay $0x4  }
0xb4: {  	v3 =	vpop (erf)  }
0xb5: {  	[tilespmem:$0x1CAF8] =	vst v3  }
0xb6: {  	v1 =	vld.idx.msk [tilespmem:v1+s14+$0x0], $0xffff  }
0xb7: {  	v2 =	vld.idx.msk [tilespmem:v2+s15+$0x0], $0xffff;
	_ =	sdelay $0x4  }
0xb8: {  	v1 =	vadd.f32 v2, v1;
	_ =	sdelay $0x1  }
0xb9: {  	v2 =	vmul.f32 $2.000000030e-01, v1;
	_ =	sdelay $0x1  }
0xba: {  	v1 =	vmax.f32 v1, v2  }
0xbb: {  	v1 =	vmul.f32 $1.442695020e+00, v1;
	_ =	sdelay $0x1  }
0xbc: {  	(erf) = vpow2.f32 v1;
	_ =	sdelay $0x2  }
0xbd: {  	v1 =	vld [tilespmem:$0x18A18]  }
0xbe: {  	v2 =	vld [tilespmem:$0x18A98];
	_ =	sdelay $0x4  }
0xbf: {  	v3 =	vpop (erf)  }
0xc0: {  	[tilespmem:$0x1CB08] =	vst v3  }
0xc1: {  	v1 =	vld.idx.msk [tilespmem:v1+s14+$0x0], $0xffff  }
0xc2: {  	v2 =	vld.idx.msk [tilespmem:v2+s15+$0x0], $0xffff;
	_ =	sdelay $0x4  }
0xc3: {  	v1 =	vadd.f32 v2, v1;
	_ =	sdelay $0x1  }
0xc4: {  	v2 =	vmul.f32 $2.000000030e-01, v1;
	_ =	sdelay $0x1  }
0xc5: {  	v1 =	vmax.f32 v1, v2  }
0xc6: {  	v1 =	vmul.f32 $1.442695020e+00, v1;
	_ =	sdelay $0x1  }
0xc7: {  	(erf) = vpow2.f32 v1;
	_ =	sdelay $0x2  }
0xc8: {  	v1 =	vld [tilespmem:$0x18A28]  }
0xc9: {  	v2 =	vld [tilespmem:$0x18AA8];
	_ =	sdelay $0x4  }
0xca: {  	v3 =	vpop (erf)  }
0xcb: {  	[tilespmem:$0x1CB18] =	vst v3  }
0xcc: {  	v1 =	vld.idx.msk [tilespmem:v1+s14+$0x0], $0xffff  }
0xcd: {  	v2 =	vld.idx.msk [tilespmem:v2+s15+$0x0], $0xffff;
	_ =	sdelay $0x4  }
0xce: {  	v1 =	vadd.f32 v2, v1;
	_ =	sdelay $0x1  }
0xcf: {  	v2 =	vmul.f32 $2.000000030e-01, v1;
	_ =	sdelay $0x1  }
0xd0: {  	v1 =	vmax.f32 v1, v2  }
0xd1: {  	v1 =	vmul.f32 $1.442695020e+00, v1;
	_ =	sdelay $0x1  }
0xd2: {  	(erf) = vpow2.f32 v1;
	_ =	sdelay $0x2  }
0xd3: {  	v1 =	vld [tilespmem:$0x18A38]  }
0xd4: {  	v2 =	vld [tilespmem:$0x18AB8];
	_ =	sdelay $0x4  }
0xd5: {  	v3 =	vpop (erf)  }
0xd6: {  	[tilespmem:$0x1CB28] =	vst v3  }
0xd7: {  	v1 =	vld.idx.msk [tilespmem:v1+s14+$0x0], $0xffff  }
0xd8: {  	v2 =	vld.idx.msk [tilespmem:v2+s15+$0x0], $0xffff;
	_ =	sdelay $0x4  }
0xd9: {  	v1 =	vadd.f32 v2, v1;
	_ =	sdelay $0x1  }
0xda: {  	v2 =	vmul.f32 $2.000000030e-01, v1;
	_ =	sdelay $0x1  }
0xdb: {  	v1 =	vmax.f32 v1, v2  }
0xdc: {  	v1 =	vmul.f32 $1.442695020e+00, v1;
	_ =	sdelay $0x1  }
0xdd: {  	(erf) = vpow2.f32 v1;
	_ =	sdelay $0x2  }
0xde: {  	v1 =	vld [tilespmem:$0x18A48]  }
0xdf: {  	v2 =	vld [tilespmem:$0x18AC8];
	_ =	sdelay $0x4  }
0xe0: {  	v3 =	vpop (erf)  }
0xe1: {  	[tilespmem:$0x1CB38] =	vst v3  }
0xe2: {  	v1 =	vld.idx.msk [tilespmem:v1+s14+$0x0], $0xffff  }
0xe3: {  	v2 =	vld.idx.msk [tilespmem:v2+s15+$0x0], $0xffff;
	_ =	sdelay $0x4  }
0xe4: {  	v1 =	vadd.f32 v2, v1;
	_ =	sdelay $0x1  }
0xe5: {  	v2 =	vmul.f32 $2.000000030e-01, v1;
	_ =	sdelay $0x1  }
0xe6: {  	v1 =	vmax.f32 v1, v2  }
0xe7: {  	v1 =	vmul.f32 $1.442695020e+00, v1;
	_ =	sdelay $0x1  }
0xe8: {  	(erf) = vpow2.f32 v1;
	_ =	sdelay $0x2  }
0xe9: {  	v1 =	vld [tilespmem:$0x18A58]  }
0xea: {  	v2 =	vld [tilespmem:$0x18AD8];
	_ =	sdelay $0x4  }
0xeb: {  	v3 =	vpop (erf)  }
0xec: {  	[tilespmem:$0x1CB48] =	vst v3  }
0xed: {  	v1 =	vld.idx.msk [tilespmem:v1+s14+$0x0], $0xffff  }
0xee: {  	v2 =	vld.idx.msk [tilespmem:v2+s15+$0x0], $0xffff;
	_ =	sdelay $0x4  }
0xef: {  	v1 =	vadd.f32 v2, v1;
	_ =	sdelay $0x1  }
0xf0: {  	v2 =	vmul.f32 $2.000000030e-01, v1;
	_ =	sdelay $0x1  }
0xf1: {  	v1 =	vmax.f32 v1, v2  }
0xf2: {  	v1 =	vmul.f32 $1.442695020e+00, v1;
	_ =	sdelay $0x1  }
0xf3: {  	(erf) = vpow2.f32 v1;
	_ =	sdelay $0x2  }
0xf4: {  	v1 =	vld [tilespmem:$0x18A68]  }
0xf5: {  	v2 =	vld [tilespmem:$0x18AE8];
	_ =	sdelay $0x4  }
0xf6: {  	v3 =	vpop (erf)  }
0xf7: {  	[tilespmem:$0x1CB58] =	vst v3  }
0xf8: {  	v1 =	vld.idx.msk [tilespmem:v1+s14+$0x0], $0xffff  }
0xf9: {  	v2 =	vld.idx.msk [tilespmem:v2+s15+$0x0], $0xffff;
	_ =	sdelay $0x4  }
0xfa: {  	v1 =	vadd.f32 v2, v1;
	_ =	sdelay $0x1  }
0xfb: {  	v2 =	vmul.f32 $2.000000030e-01, v1;
	_ =	sdelay $0x1  }
0xfc: {  	v1 =	vmax.f32 v1, v2  }
0xfd: {  	v1 =	vmul.f32 $1.442695020e+00, v1;
	_ =	sdelay $0x1  }
0xfe: {  	(erf) = vpow2.f32 v1;
	_ =	sdelay $0x8  }
0xff: {  	v2 =	vmov s30;
	v1 =	vpop (erf)  }
0x100: {  	s23 =	simm.s32 $0x18B38;
	[tilespmem:$0x1CB68] =	vst v1  }
0x101: {  	v5 =	vld [tilespmem:s23+$0x30]  }
0x102: {  	v8 =	vld [tilespmem:s23+$0x10]  }
0x103: {  	v6 =	vld [tilespmem:s23+$0xFFFFFFC0]  }
0x104: {  	v2 =	vld.idx.msk [tilespmem:v2+s2+$0x0], $0xffff  }
0x105: {  	v10 =	vld [tilespmem:s23+$0xFFFFFFE0]  }
0x106: {  	v1 =	vld [tilespmem:s23+$0xFFFFFFF0]  }
0x107: {  	v3 =	vld [tilespmem:s23+$0x20]  }
0x108: {  	v4 =	vld [tilespmem:s23+$0xFFFFFFD0]  }
0x109: {  	v9 =	vmul.f32 v5, v2;
	v5 =	vld [tilespmem:s23+$0x0]  }
0x10a: {  	v7 =	vmul.f32 v6, v2  }
0x10b: {  	s25 =	simm.s32 $0x18B38;
	s24 =	simm.s32 $0x1;
	v6 =	vmul.f32 v10, v2;
	v8 =	vmul.f32 v8, v2  }
.LBB2_6:
0x10c: {  	p2 =	sne.s32 s24, $0x7F  }
0x10d: {  	v4 =	vmul.f32 v4, v2;
	v3 =	vmul.f32 v3, v2;
	[tilespmem:s23+$0x30] =	vst v9;
	s25 =	sadd.s32 $0x80, s25;
	s26 =	smov.u32 s24;
	s24 =	sadd.s32 $0x1, s24  }
0x10e: {  	[tilespmem:s23+$0xFFFFFFC0] =	vst v7;
	v7 =	vmul.f32 v1, v2;
	v2 =	vmul.f32 v5, v2  }
0x10f: {  	[tilespmem:s23+$0x10] =	vst v8  }
0x110: {  	v5 =	vmov s26;
	[tilespmem:s23+$0xFFFFFFE0] =	vst v6  }
0x111: {  	v1 =	vld [tilespmem:s25+$0xFFFFFFF0];
	[tilespmem:s23+$0xFFFFFFF0] =	vst v7  }
0x112: {  	v6 =	vld [tilespmem:s25+$0x30];
	[tilespmem:s23+$0x0] =	vst v2  }
0x113: {  	v8 =	vld [tilespmem:s25+$0x10];
	[tilespmem:s23+$0x20] =	vst v3  }
0x114: {  	v7 =	vld [tilespmem:s25+$0xFFFFFFC0];
	[tilespmem:s23+$0xFFFFFFD0] =	vst v4;
	s23 =	smov.u32 s25  }
0x115: {  	v2 =	vld.idx.msk [tilespmem:v5+s2+$0x0], $0xffff  }
0x116: {  	v10 =	vld [tilespmem:s25+$0xFFFFFFE0]  }
0x117: {  	v3 =	vld [tilespmem:s25+$0x20]  }
.Ltmp4:
0x118: {  	v4 =	vld [tilespmem:s25+$0xFFFFFFD0];
	(pc) =	sbr.rel @p2 .LBB2_6-.Ltmp4, $3  }
0x119: {  	v5 =	vld [tilespmem:s25+$0x0];
	_ =	sdelay $0x1  }
0x11a: {  	v7 =	vmul.f32 v7, v2;
	v9 =	vmul.f32 v6, v2  }
0x11b: {  	v8 =	vmul.f32 v8, v2;
	v6 =	vmul.f32 v10, v2  }
0x11c: {  	[tilespmem:s23+$0x30] =	vst v9  }
0x11d: {  	[tilespmem:s23+$0xFFFFFFC0] =	vst v7  }
0x11e: {  	v1 =	vmul.f32 v1, v2;
	[tilespmem:s23+$0x10] =	vst v8  }
0x11f: {  	v3 =	vmul.f32 v3, v2;
	[tilespmem:s23+$0xFFFFFFE0] =	vst v6  }
0x120: {  	v5 =	vmul.f32 v5, v2;
	[tilespmem:s23+$0xFFFFFFF0] =	vst v1  }
0x121: {  	v1 =	vmul.f32 v4, v2;
	[tilespmem:s23+$0x20] =	vst v3  }
0x122: {  	[tilespmem:s23+$0x0] =	vst v5  }
0x123: {  	[tilespmem:s23+$0xFFFFFFD0] =	vst v1  }
0x124: {  	[spmem:s6] =	stream.indirect.scatter.add.f32 [tilespmem:s4], [sflag:$0x3], $0x80, s17, s18, $0xb8;
	[tilespmem:$0x1CB78] =	vst v63  }
0x125: {  	_ =	swait.ge [sflag:s1], $0x4000  }
0x126: {  	[sflag:s1] =	ssyncset.done $0x0  }
.Ltmp5:
0x127: {  	[sflag:s1] =	ssyncadd.s32 $0xFFFFC000;
	(pc) =	sbr.rel .LBB2_8-.Ltmp5, $4  }
0x128: {  	[spmem:s7] =	stream.indirect.scatter.add.f32 [tilespmem:s2], [sflag:$0x2], $0x1, s17, s18, $0xb8;
	[tilespmem:$0x1CB78] =	vst v63  }
0x129: {  	_ =	swait.ge [sflag:s11], $0x80  }
0x12a: {  	[sflag:s11] =	ssyncset.done $0x0  }
0x12b: {  	[sflag:s11] =	ssyncadd.s32 $0xFFFFFF80  }
.LBB2_9:
0x12c: {  	s7 =	smov.u32 s6;
	s6 =	smov.u32 s5;
	s5 =	smov.u32 s3  }
0x12d: {  	s3 =	smov.u32 s0;
	s0 =	smov.u32 s20;
	s21 =	sadd.s32 $0x0, s9  }
0x12e: {  	[bflag:$0x0] =	sbarrier.arrive $0xFFFF;
	s25 =	simm.s32 $0x20;
	p2 =	sgt.u32 s21, $0x7C  }
0x12f: {  	s8 =	rddreg [dreg:$0x14];
	s21 =	sshll.u32 @!p2 s9, $0x6;
	s23 =	sshrl.u32 @!p2 s22, $0x3  }
0x130: {  	s28 =	simm.s32 @!p2 $0x3;
	s21 =	sor.u32 @!p2 $0x1C03, s21;
	p2 =	por p2, p2  }
0x131: {  	[hbm:s8], [sflag:s21] =	dma.local @!p2 [spmem:s23], $0x500  }
0x132: {  	s24 =	sadd.s32 $0x5000, s8;
	s26 =	simm.s32 @!p2 $0x2;
	_ =	swait.ge @!p2 [sflag:s28], $0x500  }
0x133: {  	p3 =	por !p0, p2;
	s29 =	simm.s32 @!p2 $0x1CAF8;
	[sflag:s28] =	ssyncset.done @!p2 $0x0  }
0x134: {  	s8 =	smov.u32 s13;
	s23 =	sadd.s32 $0x500, s13;
	[sflag:s28] =	ssyncadd.s32 @!p2 $0xFFFFFB00  }
0x135: {  	[tilespmem:s29], [sflag:$0x3] =	stream.linear.gather @!p2 [spmem:s13], $0x50, $0x38;
	[tilespmem:$0x1CB78] =	vst v63  }
0x136: {  	s30 =	simm.s32 @!p2 $0x0;
	s13 =	sadd.s32 $0x10, s9;
	_ =	swait.ge @!p2 [sflag:s28], $0x50  }
0x137: {  	s26 =	simm.s32 @p3 $0x3;
	p4 =	sgt.u32 s13, $0x7C;
	[sflag:s28] =	ssyncset.done @!p2 $0x0  }
0x138: {  	s13 =	smov.u32 s22;
	s12 =	rddreg [dreg:$0x12];
	[sflag:s28] =	ssyncadd.s32 @!p2 $0xFFFFFFB0  }
0x139: {  	[hbm4b:s12+s30] =	stream.linear.scatter @!p2 [tilespmem:s29], [sflag:s26], $0x50, $0x38;
	[tilespmem:$0x1CB78] =	vst v63  }
0x13a: {  	s21 =	sadd.s32 $0xA0, s12;
	s28 =	sadd.s32 $0x28000, s22;
	_ =	swait.ge @!p2 [sflag:s26], $0x50  }
0x13b: {  	s30 =	sshll.u32 @!p4 s9, $0x6;
	s29 =	sshrl.u32 @!p4 s28, $0x3;
	[sflag:s26] =	ssyncset.done @!p2 $0x0  }
.LBB2_10:
0x13c: {  	s20 =	sor.u32 @!p4 $0x1C03, s30;
	s30 =	simm.s32 @!p4 $0x3;
	[sflag:s26] =	ssyncadd.s32 @!p2 $0xFFFFFFB0  }
0x13d: {  	s22 =	smov.u32 s25;
	s12 =	smov.u32 s21;
	p2 =	por p4, p4  }
0x13e: {  	[hbm:s24], [sflag:s20] =	dma.local @!p2 [spmem:s29], $0x500  }
0x13f: {  	s26 =	simm.s32 @!p2 $0x2;
	p4 =	por !p0, p2;
	_ =	swait.ge @!p2 [sflag:s30], $0x500  }
0x140: {  	s25 =	sadd.s32 $0x10, s25;
	s24 =	sadd.s32 $0x5000, s24;
	[sflag:s30] =	ssyncset.done @!p2 $0x0  }
0x141: {  	p3 =	sne.s32 s25, $0x80;
	s20 =	simm.s32 @!p2 $0x1CAF8;
	[sflag:s30] =	ssyncadd.s32 @!p2 $0xFFFFFB00  }
0x142: {  	[tilespmem:s20], [sflag:$0x3] =	stream.linear.gather @!p2 [spmem:s23], $0x50, $0x38;
	[tilespmem:$0x1CB78] =	vst v63  }
0x143: {  	s21 =	sadd.s32 $0xA0, s21;
	s23 =	sadd.s32 $0x500, s23;
	_ =	swait.ge @!p2 [sflag:s30], $0x50  }
.Ltmp6:
0x144: {  	s29 =	simm.s32 @!p2 $0x0;
	[sflag:s30] =	ssyncset.done @!p2 $0x0;
	(pc) =	sbr.rel @p3 .LBB2_10-.Ltmp6, $4  }
0x145: {  	s22 =	sadd.s32 s22, s9;
	s26 =	simm.s32 @p4 $0x3;
	[sflag:s30] =	ssyncadd.s32 @!p2 $0xFFFFFFB0  }
0x146: {  	[hbm4b:s12+s29] =	stream.linear.scatter @!p2 [tilespmem:s20], [sflag:s26], $0x50, $0x38;
	[tilespmem:$0x1CB78] =	vst v63  }
0x147: {  	s28 =	sadd.s32 $0x28000, s28;
	p4 =	sgt.u32 s22, $0x7C;
	_ =	swait.ge @!p2 [sflag:s26], $0x50  }
0x148: {  	s30 =	sshll.u32 @!p4 s9, $0x6;
	s29 =	sshrl.u32 @!p4 s28, $0x3;
	[sflag:s26] =	ssyncset.done @!p2 $0x0  }
0x149: {  	s12 =	sor.u32 @!p4 $0x1C03, s30  }
0x14a: {  	s20 =	simm.s32 @!p4 $0x3;
	[sflag:s26] =	ssyncadd.s32 @!p2 $0xFFFFFFB0;
	p2 =	por p4, p4  }
0x14b: {  	[hbm:s24], [sflag:s12] =	dma.local @!p2 [spmem:s29], $0x500  }
0x14c: {  	_ =	swait.ge @!p2 [sflag:s20], $0x500  }
0x14d: {  	[sflag:s20] =	ssyncset.done @!p2 $0x0  }
0x14e: {  	s12 =	simm.s32 @!p2 $0x1CAF8;
	[sflag:s20] =	ssyncadd.s32 @!p2 $0xFFFFFB00  }
0x14f: {  	[tilespmem:s12], [sflag:$0x3] =	stream.linear.gather @!p2 [spmem:s23], $0x50, $0x38;
	[tilespmem:$0x1CB78] =	vst v63  }
0x150: {  	_ =	swait.ge @!p2 [sflag:s20], $0x50  }
0x151: {  	s22 =	simm.s32 @!p2 $0x2;
	p3 =	por !p0, p2;
	[sflag:s20] =	ssyncset.done @!p2 $0x0  }
0x152: {  	s22 =	simm.s32 @p3 $0x3;
	s23 =	simm.s32 @!p2 $0x0;
	[sflag:s20] =	ssyncadd.s32 @!p2 $0xFFFFFFB0  }
0x153: {  	[hbm4b:s21+s23] =	stream.linear.scatter @!p2 [tilespmem:s12], [sflag:s22], $0x50, $0x38;
	[tilespmem:$0x1CB78] =	vst v63  }
0x154: {  	_ =	swait.ge @!p2 [sflag:s22], $0x50  }
0x155: {  	s20 =	sadd.s32 $0x1, s0;
	s30 =	rddreg [dreg:$0xb]  }
0x156: {  	p3 =	sne.s32 s20, s30  }
.Ltmp7:
0x157: {  	_ = 	snop;
	(pc) =	sbr.rel @p3 .LBB2_1-.Ltmp7, $4  }
0x158: {  	_ = 	snop  }
0x159: {  	s0 =	smov.u32 s3;
	s3 =	smov.u32 s5;
	[sflag:s22] =	ssyncset.done @!p2 $0x0  }
0x15a: {  	s5 =	smov.u32 s6;
	s6 =	smov.u32 s7;
	[sflag:s22] =	ssyncadd.s32 @!p2 $0xFFFFFFB0  }
0x15b: {  	s22 =	smov.u32 s13;
	s13 =	smov.u32 s8;
	s7 =	rddreg [dreg:$0x9]  }
0x15c: {  	_ =	sfence.sel $0x180000  }
0x15d: {  	[bflag:$0x0] =	sbarrier.arrive $0xFFFF  }
0x15e: {  	_ =	strace $0x90000047  }
0x15f: {  	[bflag:$0x2] =	sbarrier.arrive $0xFFFF  }
0x160: {  	p0 =	sne.s32 s9, $0x0;
	s0 =	rddreg [dreg:$0xa]  }
0x161: {  	s0 =	sadd.s32 @!p0 $0x100000, s0  }
0x162: {  	[sflag:s0] =	ssyncadd.tile.s32 @!p0 $0x1;
	_ =	shalt  }
.Lfunc_end2:
_tile_overlayer_lowered:
.L_overlay_start_2:
0x163: {  	(tag) =	ssettag $0x2  }
0x164: {  	s0 =	rddreg [dreg:$0x0];
	s2 =	stileid.u32  }
0x165: {  	s1 =	rddreg [dreg:$0x1];
	p0 =	sne.s32 s2, $0x0  }
0x166: {  	s3 =	rddreg [dreg:$0x2];
	[bflag:$0x3] =	sbarrier.arrive $0xFFFF;
	s2 =	simm.s32 @!p0 $0x1C02  }
0x167: {  	[timem:s3], [sflag:s2] =	dma.local @!p0 [hbm:s0], s1  }
0x168: {  	s0 =	simm.s32 @!p0 $0x2  }
0x169: {  	_ =	swait.ge @!p0 [sflag:s0], s1  }
0x16a: {  	s1 =	ssub.s32 @!p0 $0x0, s1;
	[sflag:s0] =	ssyncset.done @!p0 $0x0  }
0x16b: {  	[sflag:s0] =	ssyncadd.s32 @!p0 s1  }
0x16c: {  	[bflag:$0x3] =	sbarrier.arrive $0xFFFF  }
0x16d: {  	_ =	shalt  }

</sc_bundles>
